<compile_context>
chip_gen: v7x
topology: tpu7x:2x2x1
jax: 0.10.2.dev20260603
libtpu: 0.0.44.dev20260713+nightly
codegen_flags: <defaults>
</compile_context>

<pallas_src>
import functools

import jax
import jax.numpy as jnp
from jax import lax
from jax.experimental import pallas as pl
from jax.experimental.pallas import tpu as pltpu
from jax.experimental.pallas import tpu_sc as plsc

NC = 2
NS = 16
NW = NC * NS
L = 16

_MESH = plsc.VectorSubcoreMesh(
    core_axis_name="c", subcore_axis_name="s", num_cores=NC, num_subcores=NS
)
_SC_PARAMS = pltpu.CompilerParams(
    needs_layout_passes=False,
    use_tc_tiling_on_sc=False,
    skip_device_barrier=True,
)


def _degree_kernel(e16, np_pad):

    @functools.partial(
        pl.kernel,
        mesh=_MESH,
        out_type=jax.ShapeDtypeStruct((2, NW, np_pad), jnp.float32),
        scratch_types=[
            pltpu.VMEM((e16, L), jnp.int32),
            pltpu.VMEM((e16, L), jnp.int32),
            pltpu.VMEM((np_pad,), jnp.float32),
            pltpu.VMEM((np_pad,), jnp.float32),
            pltpu.SemaphoreType.DMA,
        ],
        compiler_params=_SC_PARAMS,
    )
    def deg_kernel(src_hbm, dst_hbm, zrow_hbm, out_hbm, sidx, didx, hs, hd, sem):
        c = lax.axis_index("c")
        s = lax.axis_index("s")
        wid = s * NC + c
        pltpu.async_copy(src_hbm.at[wid], sidx, sem)
        pltpu.async_copy(dst_hbm.at[wid], didx, sem)
        pltpu.sync_copy(zrow_hbm.at[0], hs)
        pltpu.sync_copy(zrow_hbm.at[1], hd)
        pltpu.make_async_copy(src_hbm.at[wid], sidx, sem).wait()
        pltpu.make_async_copy(dst_hbm.at[wid], didx, sem).wait()
        ones = jnp.ones((L,), jnp.float32)

        @plsc.parallel_loop(0, e16, unroll=4)
        def _(j):
            plsc.addupdate_scatter(hs, [sidx[j]], ones)
            plsc.addupdate_scatter(hd, [didx[j]], ones)

        pltpu.sync_copy(hs, out_hbm.at[0, wid])
        pltpu.sync_copy(hd, out_hbm.at[1, wid])

    return deg_kernel


def _agg_kernel(nch, ch, np_pad, d):
    rpt = np_pad // NS

    @functools.partial(
        pl.kernel,
        mesh=_MESH,
        out_type=jax.ShapeDtypeStruct((NC, np_pad, d), jnp.float32),
        scratch_types=[
            pltpu.VMEM((nch, ch), jnp.int32),
            pltpu.VMEM((nch, ch), jnp.int32),
            pltpu.VMEM((ch, d), jnp.float32),
            pltpu.VMEM((ch, d), jnp.float32),
            pltpu.VMEM_SHARED((np_pad, d), jnp.float32),
            pltpu.SemaphoreType.DMA,
            pltpu.SemaphoreType.DMA,
        ],
        compiler_params=_SC_PARAMS,
    )
    def agg_kernel(h_hbm, src_hbm, dst_hbm, zmat_hbm, out_hbm,
                   sidx, didx, rows0, rows1, acc, sem0, sem1):
        c = lax.axis_index("c")
        s = lax.axis_index("s")
        wid = s * NC + c
        pltpu.sync_copy(src_hbm.at[wid], sidx)
        pltpu.sync_copy(dst_hbm.at[wid], didx)
        pltpu.sync_copy(zmat_hbm.at[pl.ds(s * rpt, rpt)], acc.at[pl.ds(s * rpt, rpt)])
        plsc.subcore_barrier()

        pltpu.async_copy(h_hbm.at[sidx.at[0]], rows0, sem0)
        pltpu.async_copy(h_hbm.at[sidx.at[1]], rows1, sem1)

        def ebody(k, carry):
            j = 2 * k
            pltpu.make_async_copy(h_hbm.at[sidx.at[j]], rows0, sem0).wait()
            pltpu.sync_copy(rows0, acc.at[didx.at[j]], add=True)

            @pl.when(k < nch // 2 - 1)
            def _():
                pltpu.async_copy(h_hbm.at[sidx.at[j + 2]], rows0, sem0)

            pltpu.make_async_copy(h_hbm.at[sidx.at[j + 1]], rows1, sem1).wait()
            pltpu.sync_copy(rows1, acc.at[didx.at[j + 1]], add=True)

            @pl.when(k < nch // 2 - 1)
            def _():
                pltpu.async_copy(h_hbm.at[sidx.at[j + 3]], rows1, sem1)

            return carry

        lax.fori_loop(0, nch // 2, ebody, 0)
        plsc.subcore_barrier()
        pltpu.sync_copy(
            acc.at[pl.ds(s * rpt, rpt)], out_hbm.at[c].at[pl.ds(s * rpt, rpt)]
        )

    return agg_kernel


def _scale_body(hist_ref, x_ref, o_ref):
    deg = jnp.sum(hist_ref[0], axis=0)
    norm = lax.rsqrt(jnp.maximum(deg, 1.0))
    o_ref[...] = x_ref[...] * norm[:, None]


def _final_body(parts_ref, hist_ref, w_ref, b_ref, o_ref):
    p = parts_ref[...]
    agg = p[0] + p[1]
    deg = jnp.sum(hist_ref[1], axis=0)
    norm = lax.rsqrt(jnp.maximum(deg, 1.0))
    z = jnp.dot(agg * norm[:, None], w_ref[...], preferred_element_type=jnp.float32)
    o_ref[...] = jnp.maximum(z + b_ref[...], 0.0)


def kernel(x, edge_index, W, b):
    n, d = x.shape
    e = edge_index.shape[1]
    np_pad = ((n + 1023) // 1024) * 1024
    ept = e // NW
    ch = 100
    nch = ept // ch

    src = edge_index[0]
    dst = edge_index[1]
    src16 = src.reshape(NW, ept // L, L)
    dst16 = dst.reshape(NW, ept // L, L)

    zrow = jnp.zeros((2, np_pad), jnp.float32)
    hist = _degree_kernel(ept // L, np_pad)(src16, dst16, zrow)

    blk = 1024
    h = pl.pallas_call(
        _scale_body,
        grid=(np_pad // blk,),
        in_specs=[
            pl.BlockSpec((2, NW, blk), lambda i: (0, 0, i)),
            pl.BlockSpec((blk, d), lambda i: (i, 0)),
        ],
        out_specs=pl.BlockSpec((blk, d), lambda i: (i, 0)),
        out_shape=jax.ShapeDtypeStruct((np_pad, d), jnp.float32),
    )(hist, x)

    zmat = jnp.zeros((np_pad, d), jnp.float32)
    parts = _agg_kernel(nch, ch, np_pad, d)(
        h, src.reshape(NW, nch, ch), dst.reshape(NW, nch, ch), zmat
    )

    out = pl.pallas_call(
        _final_body,
        grid=(np_pad // blk,),
        in_specs=[
            pl.BlockSpec((NC, blk, d), lambda i: (0, i, 0)),
            pl.BlockSpec((2, NW, blk), lambda i: (0, 0, i)),
            pl.BlockSpec((d, d), lambda i: (0, 0)),
            pl.BlockSpec((1, d), lambda i: (0, 0)),
        ],
        out_specs=pl.BlockSpec((blk, d), lambda i: (i, 0)),
        out_shape=jax.ShapeDtypeStruct((n, d), jnp.float32),
    )(parts, hist, W, b.reshape(1, d))
    return out

# --- scband reference (transcript-rebuilt; emitter-appended) ---
"""Pipeline reference for scband-message-passing-32074815767311 (READ-ONLY COPY).

The authoritative reference and input builder live on the scoring server;
editing this copy changes nothing except your own understanding.
"""

import jax, jax.numpy as jnp
import numpy as np

N_NODES = 10000
N_EDGES = 320000
D_IN = 128
D_HID = 128

def setup_inputs(seed: int = 0) -> dict:
    key = jax.random.key(seed)
    k1, k2, k3 = jax.random.split(key, 3)
    x = jax.random.normal(k1, (N_NODES, D_IN), dtype=jnp.float32)
    # int32 used for portability on default (non-x64) jax; values < N_NODES
    edge_index = jax.random.randint(k2, (2, N_EDGES), 0, N_NODES, dtype=jnp.int32)
    # learned params of the single GraphConv layer (message_steps=1)
    W = jax.random.normal(k3, (D_IN, D_HID), dtype=jnp.float32) * 0.05
    b = jnp.zeros((D_HID,), dtype=jnp.float32)
    return {"x": x, "edge_index": edge_index, "W": W, "b": b}

def reference(x, edge_index, W, b):
    # DGL-style GraphConv with norm='both', weight=True, bias=True, activation=ReLU
    src = edge_index[0]
    dst = edge_index[1]
    deg_out = jnp.bincount(src, length=N_NODES).astype(x.dtype)
    deg_in = jnp.bincount(dst, length=N_NODES).astype(x.dtype)
    norm_src = jax.lax.rsqrt(jnp.clip(deg_out, 1.0, None))
    norm_dst = jax.lax.rsqrt(jnp.clip(deg_in, 1.0, None))
    # norm='both': scale source features by D_out^{-1/2}
    h = x * norm_src[:, None]
    # gather messages along edges and scatter-add into destination nodes
    msg = jnp.take(h, src, axis=0)
    agg = jax.ops.segment_sum(msg, dst, num_segments=N_NODES)
    # scale aggregated features by D_in^{-1/2}
    agg = agg * norm_dst[:, None]
    # in_feats == out_feats -> aggregate first, then linear transform (DGL ordering)
    out = agg @ W + b
    return jax.nn.relu(out)

if __name__ == "__main__":
    import jax
    _d = setup_inputs()
    print(jax.jit(kernel)(*tuple(_d.values())))

</pallas_src>

<mosaic_0001>
#map = affine_map<(d0, d1) -> (0, 0, 0)>
#map1 = affine_map<(d0, d1) -> (0, 0)>
module attributes {stable_mosaic.version = 14 : i64} {
  func.func @deg_kernel(%arg0: i32, %arg1: i32, %arg2: memref<32x625x16xi32, #tpu.memory_space<hbm>>, %arg3: memref<32x625x16xi32, #tpu.memory_space<hbm>>, %arg4: memref<2x10240xf32, #tpu.memory_space<hbm>>, %arg5: memref<2x32x10240xf32, #tpu.memory_space<hbm>>, %arg6: memref<625x16xi32, #tpu.memory_space<vmem>>, %arg7: memref<625x16xi32, #tpu.memory_space<vmem>>, %arg8: memref<10240xf32, #tpu.memory_space<vmem>>, %arg9: memref<10240xf32, #tpu.memory_space<vmem>>, %arg10: memref<!tpu.dma_semaphore, #tpu.memory_space<semaphore_mem>>) attributes {dimension_semantics = [#tpu.dimension_semantics<core_parallel>, #tpu.dimension_semantics<subcore_parallel>], iteration_bounds = array<i64: 2, 16>, scalar_prefetch = 0 : i64, scratch_operands = 5 : i64, tpu.core_type = #tpu.core_type<sc_vector_subcore>, window_params = [{transform_indices = #map}, {transform_indices = #map}, {transform_indices = #map1}, {transform_indices = #map}]} {
    %mul3A = arith.constant 2 : i32
    %mul3A_0 = arith.muli %arg1, %mul3A : i32
    %add3A = arith.addi %mul3A_0, %arg0 : i32
    %dma_start3A = arith.constant 0 : i32
    %dma_start3A_1 = arith.constant 0 : i32
    %dma_start3A_2 = tpu.memref_slice %arg2[%add3A, %dma_start3A, %dma_start3A_1] : memref<32x625x16xi32, #tpu.memory_space<hbm>> -> memref<1x625x16xi32, #tpu.memory_space<hbm>>
    %dma_start3A_3 = tpu.memref_squeeze %dma_start3A_2 : memref<1x625x16xi32, #tpu.memory_space<hbm>> -> memref<625x16xi32, #tpu.memory_space<hbm>>
    %dma_start3A_4 = arith.constant 0 : i32
    %dma_start3A_5 = arith.constant 0 : i32
    %dma_start3A_6 = tpu.memref_slice %arg2[%add3A, %dma_start3A_4, %dma_start3A_5] : memref<32x625x16xi32, #tpu.memory_space<hbm>> -> memref<1x625x16xi32, #tpu.memory_space<hbm>>
    %dma_start3A_7 = tpu.memref_squeeze %dma_start3A_6 : memref<1x625x16xi32, #tpu.memory_space<hbm>> -> memref<625x16xi32, #tpu.memory_space<hbm>>
    tpu.enqueue_dma source(%dma_start3A_7 : memref<625x16xi32, #tpu.memory_space<hbm>>) target(%arg6 : memref<625x16xi32, #tpu.memory_space<vmem>>) target_semaphore(%arg10 : memref<!tpu.dma_semaphore, #tpu.memory_space<semaphore_mem>>)
    %dma_start3A_8 = arith.constant 0 : i32
    %dma_start3A_9 = arith.constant 0 : i32
    %dma_start3A_10 = tpu.memref_slice %arg3[%add3A, %dma_start3A_8, %dma_start3A_9] : memref<32x625x16xi32, #tpu.memory_space<hbm>> -> memref<1x625x16xi32, #tpu.memory_space<hbm>>
    %dma_start3A_11 = tpu.memref_squeeze %dma_start3A_10 : memref<1x625x16xi32, #tpu.memory_space<hbm>> -> memref<625x16xi32, #tpu.memory_space<hbm>>
    %dma_start3A_12 = arith.constant 0 : i32
    %dma_start3A_13 = arith.constant 0 : i32
    %dma_start3A_14 = tpu.memref_slice %arg3[%add3A, %dma_start3A_12, %dma_start3A_13] : memref<32x625x16xi32, #tpu.memory_space<hbm>> -> memref<1x625x16xi32, #tpu.memory_space<hbm>>
    %dma_start3A_15 = tpu.memref_squeeze %dma_start3A_14 : memref<1x625x16xi32, #tpu.memory_space<hbm>> -> memref<625x16xi32, #tpu.memory_space<hbm>>
    tpu.enqueue_dma source(%dma_start3A_15 : memref<625x16xi32, #tpu.memory_space<hbm>>) target(%arg7 : memref<625x16xi32, #tpu.memory_space<vmem>>) target_semaphore(%arg10 : memref<!tpu.dma_semaphore, #tpu.memory_space<semaphore_mem>>)
    %run_scoped3A = arith.constant 0 : i32
    "tpu.region"() ({
      %run_scoped3A_37 = tpu.sem_alloc : memref<!tpu.dma_semaphore, #tpu.memory_space<semaphore_mem>>
      %dma_start3A_38 = arith.constant 0 : i32
      %dma_start3A_39 = tpu.memref_slice %arg4[%run_scoped3A, %dma_start3A_38] : memref<2x10240xf32, #tpu.memory_space<hbm>> -> memref<1x10240xf32, #tpu.memory_space<hbm>>
      %dma_start3A_40 = tpu.memref_squeeze %dma_start3A_39 : memref<1x10240xf32, #tpu.memory_space<hbm>> -> memref<10240xf32, #tpu.memory_space<hbm>>
      %dma_start3A_41 = arith.constant 0 : i32
      %dma_start3A_42 = tpu.memref_slice %arg4[%run_scoped3A, %dma_start3A_41] : memref<2x10240xf32, #tpu.memory_space<hbm>> -> memref<1x10240xf32, #tpu.memory_space<hbm>>
      %dma_start3A_43 = tpu.memref_squeeze %dma_start3A_42 : memref<1x10240xf32, #tpu.memory_space<hbm>> -> memref<10240xf32, #tpu.memory_space<hbm>>
      tpu.enqueue_dma source(%dma_start3A_43 : memref<10240xf32, #tpu.memory_space<hbm>>) target(%arg8 : memref<10240xf32, #tpu.memory_space<vmem>>) target_semaphore(%run_scoped3A_37 : memref<!tpu.dma_semaphore, #tpu.memory_space<semaphore_mem>>)
      %dma_wait3A_44 = arith.constant 0 : i32
      %dma_wait3A_45 = tpu.memref_slice %arg4[%run_scoped3A, %dma_wait3A_44] : memref<2x10240xf32, #tpu.memory_space<hbm>> -> memref<1x10240xf32, #tpu.memory_space<hbm>>
      %dma_wait3A_46 = tpu.memref_squeeze %dma_wait3A_45 : memref<1x10240xf32, #tpu.memory_space<hbm>> -> memref<10240xf32, #tpu.memory_space<hbm>>
      %dma_wait3A_47 = arith.constant 0 : i32
      %dma_wait3A_48 = tpu.memref_slice %arg4[%run_scoped3A, %dma_wait3A_47] : memref<2x10240xf32, #tpu.memory_space<hbm>> -> memref<1x10240xf32, #tpu.memory_space<hbm>>
      %dma_wait3A_49 = tpu.memref_squeeze %dma_wait3A_48 : memref<1x10240xf32, #tpu.memory_space<hbm>> -> memref<10240xf32, #tpu.memory_space<hbm>>
      tpu.wait_dma2 semaphore(%run_scoped3A_37 : memref<!tpu.dma_semaphore, #tpu.memory_space<semaphore_mem>>) src(%dma_wait3A_49 : memref<10240xf32, #tpu.memory_space<hbm>>) dst(%arg8 : memref<10240xf32, #tpu.memory_space<vmem>>)
      tpu.yield
    }) : () -> ()
    %run_scoped3A_16 = arith.constant 1 : i32
    "tpu.region"() ({
      %run_scoped3A_37 = tpu.sem_alloc : memref<!tpu.dma_semaphore, #tpu.memory_space<semaphore_mem>>
      %dma_start3A_38 = arith.constant 0 : i32
      %dma_start3A_39 = tpu.memref_slice %arg4[%run_scoped3A_16, %dma_start3A_38] : memref<2x10240xf32, #tpu.memory_space<hbm>> -> memref<1x10240xf32, #tpu.memory_space<hbm>>
      %dma_start3A_40 = tpu.memref_squeeze %dma_start3A_39 : memref<1x10240xf32, #tpu.memory_space<hbm>> -> memref<10240xf32, #tpu.memory_space<hbm>>
      %dma_start3A_41 = arith.constant 0 : i32
      %dma_start3A_42 = tpu.memref_slice %arg4[%run_scoped3A_16, %dma_start3A_41] : memref<2x10240xf32, #tpu.memory_space<hbm>> -> memref<1x10240xf32, #tpu.memory_space<hbm>>
      %dma_start3A_43 = tpu.memref_squeeze %dma_start3A_42 : memref<1x10240xf32, #tpu.memory_space<hbm>> -> memref<10240xf32, #tpu.memory_space<hbm>>
      tpu.enqueue_dma source(%dma_start3A_43 : memref<10240xf32, #tpu.memory_space<hbm>>) target(%arg9 : memref<10240xf32, #tpu.memory_space<vmem>>) target_semaphore(%run_scoped3A_37 : memref<!tpu.dma_semaphore, #tpu.memory_space<semaphore_mem>>)
      %dma_wait3A_44 = arith.constant 0 : i32
      %dma_wait3A_45 = tpu.memref_slice %arg4[%run_scoped3A_16, %dma_wait3A_44] : memref<2x10240xf32, #tpu.memory_space<hbm>> -> memref<1x10240xf32, #tpu.memory_space<hbm>>
      %dma_wait3A_46 = tpu.memref_squeeze %dma_wait3A_45 : memref<1x10240xf32, #tpu.memory_space<hbm>> -> memref<10240xf32, #tpu.memory_space<hbm>>
      %dma_wait3A_47 = arith.constant 0 : i32
      %dma_wait3A_48 = tpu.memref_slice %arg4[%run_scoped3A_16, %dma_wait3A_47] : memref<2x10240xf32, #tpu.memory_space<hbm>> -> memref<1x10240xf32, #tpu.memory_space<hbm>>
      %dma_wait3A_49 = tpu.memref_squeeze %dma_wait3A_48 : memref<1x10240xf32, #tpu.memory_space<hbm>> -> memref<10240xf32, #tpu.memory_space<hbm>>
      tpu.wait_dma2 semaphore(%run_scoped3A_37 : memref<!tpu.dma_semaphore, #tpu.memory_space<semaphore_mem>>) src(%dma_wait3A_49 : memref<10240xf32, #tpu.memory_space<hbm>>) dst(%arg9 : memref<10240xf32, #tpu.memory_space<vmem>>)
      tpu.yield
    }) : () -> ()
    %dma_wait3A = arith.constant 0 : i32
    %dma_wait3A_17 = arith.constant 0 : i32
    %dma_wait3A_18 = tpu.memref_slice %arg2[%add3A, %dma_wait3A, %dma_wait3A_17] : memref<32x625x16xi32, #tpu.memory_space<hbm>> -> memref<1x625x16xi32, #tpu.memory_space<hbm>>
    %dma_wait3A_19 = tpu.memref_squeeze %dma_wait3A_18 : memref<1x625x16xi32, #tpu.memory_space<hbm>> -> memref<625x16xi32, #tpu.memory_space<hbm>>
    %dma_wait3A_20 = arith.constant 0 : i32
    %dma_wait3A_21 = arith.constant 0 : i32
    %dma_wait3A_22 = tpu.memref_slice %arg2[%add3A, %dma_wait3A_20, %dma_wait3A_21] : memref<32x625x16xi32, #tpu.memory_space<hbm>> -> memref<1x625x16xi32, #tpu.memory_space<hbm>>
    %dma_wait3A_23 = tpu.memref_squeeze %dma_wait3A_22 : memref<1x625x16xi32, #tpu.memory_space<hbm>> -> memref<625x16xi32, #tpu.memory_space<hbm>>
    tpu.wait_dma2 semaphore(%arg10 : memref<!tpu.dma_semaphore, #tpu.memory_space<semaphore_mem>>) src(%dma_wait3A_23 : memref<625x16xi32, #tpu.memory_space<hbm>>) dst(%arg6 : memref<625x16xi32, #tpu.memory_space<vmem>>)
    %dma_wait3A_24 = arith.constant 0 : i32
    %dma_wait3A_25 = arith.constant 0 : i32
    %dma_wait3A_26 = tpu.memref_slice %arg3[%add3A, %dma_wait3A_24, %dma_wait3A_25] : memref<32x625x16xi32, #tpu.memory_space<hbm>> -> memref<1x625x16xi32, #tpu.memory_space<hbm>>
    %dma_wait3A_27 = tpu.memref_squeeze %dma_wait3A_26 : memref<1x625x16xi32, #tpu.memory_space<hbm>> -> memref<625x16xi32, #tpu.memory_space<hbm>>
    %dma_wait3A_28 = arith.constant 0 : i32
    %dma_wait3A_29 = arith.constant 0 : i32
    %dma_wait3A_30 = tpu.memref_slice %arg3[%add3A, %dma_wait3A_28, %dma_wait3A_29] : memref<32x625x16xi32, #tpu.memory_space<hbm>> -> memref<1x625x16xi32, #tpu.memory_space<hbm>>
    %dma_wait3A_31 = tpu.memref_squeeze %dma_wait3A_30 : memref<1x625x16xi32, #tpu.memory_space<hbm>> -> memref<625x16xi32, #tpu.memory_space<hbm>>
    tpu.wait_dma2 semaphore(%arg10 : memref<!tpu.dma_semaphore, #tpu.memory_space<semaphore_mem>>) src(%dma_wait3A_31 : memref<625x16xi32, #tpu.memory_space<hbm>>) dst(%arg7 : memref<625x16xi32, #tpu.memory_space<vmem>>)
    %broadcast_in_dim3A = arith.constant 1.000000e+00 : f32
    %broadcast_in_dim3A_32 = vector.broadcast %broadcast_in_dim3A : f32 to vector<16xf32>
    %parallel_loop3A = arith.constant 0 : i32
    %parallel_loop3A_33 = arith.constant 625 : i32
    %parallel_loop3A_34 = arith.constant 1 : i32
    scf.for %parallel_loop3A_37 = %parallel_loop3A to %parallel_loop3A_33 step %parallel_loop3A_34  : i32 {
      %parallel_loop3A_38 = arith.index_cast %parallel_loop3A_37 : i32 to index
      %parallel_loop3A_39 = arith.constant 0 : index
      %parallel_loop3A_40 = tpu.vector_load %arg6[%parallel_loop3A_38, %parallel_loop3A_39] {strides = array<i32>} : memref<625x16xi32, #tpu.memory_space<vmem>>, vector<16xi32>,
      tpu.vector_store_idx %arg8[%parallel_loop3A_40], %broadcast_in_dim3A_32 {add = true} : memref<10240xf32, #tpu.memory_space<vmem>>[vector<16xi32>], vector<16xf32>,
      %parallel_loop3A_41 = arith.index_cast %parallel_loop3A_37 : i32 to index
      %parallel_loop3A_42 = arith.constant 0 : index
      %parallel_loop3A_43 = tpu.vector_load %arg7[%parallel_loop3A_41, %parallel_loop3A_42] {strides = array<i32>} : memref<625x16xi32, #tpu.memory_space<vmem>>, vector<16xi32>,
      tpu.vector_store_idx %arg9[%parallel_loop3A_43], %broadcast_in_dim3A_32 {add = true} : memref<10240xf32, #tpu.memory_space<vmem>>[vector<16xi32>], vector<16xf32>,
    } {sc.loop_unroll_factor = 4 : i64, sc.parallel_access}
    %run_scoped3A_35 = arith.constant 0 : i32
    "tpu.region"() ({
      %run_scoped3A_37 = tpu.sem_alloc : memref<!tpu.dma_semaphore, #tpu.memory_space<semaphore_mem>>
      %dma_start3A_38 = arith.constant 0 : i32
      %dma_start3A_39 = tpu.memref_slice %arg5[%run_scoped3A_35, %add3A, %dma_start3A_38] : memref<2x32x10240xf32, #tpu.memory_space<hbm>> -> memref<1x1x10240xf32, #tpu.memory_space<hbm>>
      %dma_start3A_40 = tpu.memref_squeeze %dma_start3A_39 : memref<1x1x10240xf32, #tpu.memory_space<hbm>> -> memref<10240xf32, #tpu.memory_space<hbm>>
      %dma_start3A_41 = arith.constant 0 : i32
      %dma_start3A_42 = tpu.memref_slice %arg5[%run_scoped3A_35, %add3A, %dma_start3A_41] : memref<2x32x10240xf32, #tpu.memory_space<hbm>> -> memref<1x1x10240xf32, #tpu.memory_space<hbm>>
      %dma_start3A_43 = tpu.memref_squeeze %dma_start3A_42 : memref<1x1x10240xf32, #tpu.memory_space<hbm>> -> memref<10240xf32, #tpu.memory_space<hbm>>
      tpu.enqueue_dma source(%arg8 : memref<10240xf32, #tpu.memory_space<vmem>>) target(%dma_start3A_43 : memref<10240xf32, #tpu.memory_space<hbm>>) target_semaphore(%run_scoped3A_37 : memref<!tpu.dma_semaphore, #tpu.memory_space<semaphore_mem>>)
      %dma_wait3A_44 = arith.constant 0 : i32
      %dma_wait3A_45 = tpu.memref_slice %arg5[%run_scoped3A_35, %add3A, %dma_wait3A_44] : memref<2x32x10240xf32, #tpu.memory_space<hbm>> -> memref<1x1x10240xf32, #tpu.memory_space<hbm>>
      %dma_wait3A_46 = tpu.memref_squeeze %dma_wait3A_45 : memref<1x1x10240xf32, #tpu.memory_space<hbm>> -> memref<10240xf32, #tpu.memory_space<hbm>>
      %dma_wait3A_47 = arith.constant 0 : i32
      %dma_wait3A_48 = tpu.memref_slice %arg5[%run_scoped3A_35, %add3A, %dma_wait3A_47] : memref<2x32x10240xf32, #tpu.memory_space<hbm>> -> memref<1x1x10240xf32, #tpu.memory_space<hbm>>
      %dma_wait3A_49 = tpu.memref_squeeze %dma_wait3A_48 : memref<1x1x10240xf32, #tpu.memory_space<hbm>> -> memref<10240xf32, #tpu.memory_space<hbm>>
      tpu.wait_dma2 semaphore(%run_scoped3A_37 : memref<!tpu.dma_semaphore, #tpu.memory_space<semaphore_mem>>) src(%arg8 : memref<10240xf32, #tpu.memory_space<vmem>>) dst(%dma_wait3A_49 : memref<10240xf32, #tpu.memory_space<hbm>>)
      tpu.yield
    }) : () -> ()
    %run_scoped3A_36 = arith.constant 1 : i32
    "tpu.region"() ({
      %run_scoped3A_37 = tpu.sem_alloc : memref<!tpu.dma_semaphore, #tpu.memory_space<semaphore_mem>>
      %dma_start3A_38 = arith.constant 0 : i32
      %dma_start3A_39 = tpu.memref_slice %arg5[%run_scoped3A_36, %add3A, %dma_start3A_38] : memref<2x32x10240xf32, #tpu.memory_space<hbm>> -> memref<1x1x10240xf32, #tpu.memory_space<hbm>>
      %dma_start3A_40 = tpu.memref_squeeze %dma_start3A_39 : memref<1x1x10240xf32, #tpu.memory_space<hbm>> -> memref<10240xf32, #tpu.memory_space<hbm>>
      %dma_start3A_41 = arith.constant 0 : i32
      %dma_start3A_42 = tpu.memref_slice %arg5[%run_scoped3A_36, %add3A, %dma_start3A_41] : memref<2x32x10240xf32, #tpu.memory_space<hbm>> -> memref<1x1x10240xf32, #tpu.memory_space<hbm>>
      %dma_start3A_43 = tpu.memref_squeeze %dma_start3A_42 : memref<1x1x10240xf32, #tpu.memory_space<hbm>> -> memref<10240xf32, #tpu.memory_space<hbm>>
      tpu.enqueue_dma source(%arg9 : memref<10240xf32, #tpu.memory_space<vmem>>) target(%dma_start3A_43 : memref<10240xf32, #tpu.memory_space<hbm>>) target_semaphore(%run_scoped3A_37 : memref<!tpu.dma_semaphore, #tpu.memory_space<semaphore_mem>>)
      %dma_wait3A_44 = arith.constant 0 : i32
      %dma_wait3A_45 = tpu.memref_slice %arg5[%run_scoped3A_36, %add3A, %dma_wait3A_44] : memref<2x32x10240xf32, #tpu.memory_space<hbm>> -> memref<1x1x10240xf32, #tpu.memory_space<hbm>>
      %dma_wait3A_46 = tpu.memref_squeeze %dma_wait3A_45 : memref<1x1x10240xf32, #tpu.memory_space<hbm>> -> memref<10240xf32, #tpu.memory_space<hbm>>
      %dma_wait3A_47 = arith.constant 0 : i32
      %dma_wait3A_48 = tpu.memref_slice %arg5[%run_scoped3A_36, %add3A, %dma_wait3A_47] : memref<2x32x10240xf32, #tpu.memory_space<hbm>> -> memref<1x1x10240xf32, #tpu.memory_space<hbm>>
      %dma_wait3A_49 = tpu.memref_squeeze %dma_wait3A_48 : memref<1x1x10240xf32, #tpu.memory_space<hbm>> -> memref<10240xf32, #tpu.memory_space<hbm>>
      tpu.wait_dma2 semaphore(%run_scoped3A_37 : memref<!tpu.dma_semaphore, #tpu.memory_space<semaphore_mem>>) src(%arg9 : memref<10240xf32, #tpu.memory_space<vmem>>) dst(%dma_wait3A_49 : memref<10240xf32, #tpu.memory_space<hbm>>)
      tpu.yield
    }) : () -> ()
    return
  }
}

#map = affine_map<(d0, d1) -> (0, 0)>
#map1 = affine_map<(d0, d1) -> (0, 0, 0)>
module attributes {stable_mosaic.version = 14 : i64} {
  func.func @agg_kernel(%arg0: i32, %arg1: i32, %arg2: memref<10240x128xf32, #tpu.memory_space<hbm>>, %arg3: memref<32x100x100xi32, #tpu.memory_space<hbm>>, %arg4: memref<32x100x100xi32, #tpu.memory_space<hbm>>, %arg5: memref<10240x128xf32, #tpu.memory_space<hbm>>, %arg6: memref<2x10240x128xf32, #tpu.memory_space<hbm>>, %arg7: memref<100x100xi32, #tpu.memory_space<vmem>>, %arg8: memref<100x100xi32, #tpu.memory_space<vmem>>, %arg9: memref<100x128xf32, #tpu.memory_space<vmem>>, %arg10: memref<100x128xf32, #tpu.memory_space<vmem>>, %arg11: memref<10240x128xf32, #tpu.memory_space<vmem_shared>>, %arg12: memref<!tpu.dma_semaphore, #tpu.memory_space<semaphore_mem>>, %arg13: memref<!tpu.dma_semaphore, #tpu.memory_space<semaphore_mem>>) attributes {dimension_semantics = [#tpu.dimension_semantics<core_parallel>, #tpu.dimension_semantics<subcore_parallel>], iteration_bounds = array<i64: 2, 16>, scalar_prefetch = 0 : i64, scratch_operands = 7 : i64, tpu.core_type = #tpu.core_type<sc_vector_subcore>, window_params = [{transform_indices = #map}, {transform_indices = #map1}, {transform_indices = #map1}, {transform_indices = #map}, {transform_indices = #map1}]} {
    %mul3A = arith.constant 2 : i32
    %mul3A_0 = arith.muli %arg1, %mul3A : i32
    %add3A = arith.addi %mul3A_0, %arg0 : i32
    "tpu.region"() ({
      %run_scoped3A = tpu.sem_alloc : memref<!tpu.dma_semaphore, #tpu.memory_space<semaphore_mem>>
      %dma_start3A_28 = arith.constant 0 : i32
      %dma_start3A_29 = arith.constant 0 : i32
      %dma_start3A_30 = tpu.memref_slice %arg3[%add3A, %dma_start3A_28, %dma_start3A_29] : memref<32x100x100xi32, #tpu.memory_space<hbm>> -> memref<1x100x100xi32, #tpu.memory_space<hbm>>
      %dma_start3A_31 = tpu.memref_squeeze %dma_start3A_30 : memref<1x100x100xi32, #tpu.memory_space<hbm>> -> memref<100x100xi32, #tpu.memory_space<hbm>>
      %dma_start3A_32 = arith.constant 0 : i32
      %dma_start3A_33 = arith.constant 0 : i32
      %dma_start3A_34 = tpu.memref_slice %arg3[%add3A, %dma_start3A_32, %dma_start3A_33] : memref<32x100x100xi32, #tpu.memory_space<hbm>> -> memref<1x100x100xi32, #tpu.memory_space<hbm>>
      %dma_start3A_35 = tpu.memref_squeeze %dma_start3A_34 : memref<1x100x100xi32, #tpu.memory_space<hbm>> -> memref<100x100xi32, #tpu.memory_space<hbm>>
      tpu.enqueue_dma source(%dma_start3A_35 : memref<100x100xi32, #tpu.memory_space<hbm>>) target(%arg7 : memref<100x100xi32, #tpu.memory_space<vmem>>) target_semaphore(%run_scoped3A : memref<!tpu.dma_semaphore, #tpu.memory_space<semaphore_mem>>)
      %dma_wait3A = arith.constant 0 : i32
      %dma_wait3A_36 = arith.constant 0 : i32
      %dma_wait3A_37 = tpu.memref_slice %arg3[%add3A, %dma_wait3A, %dma_wait3A_36] : memref<32x100x100xi32, #tpu.memory_space<hbm>> -> memref<1x100x100xi32, #tpu.memory_space<hbm>>
      %dma_wait3A_38 = tpu.memref_squeeze %dma_wait3A_37 : memref<1x100x100xi32, #tpu.memory_space<hbm>> -> memref<100x100xi32, #tpu.memory_space<hbm>>
      %dma_wait3A_39 = arith.constant 0 : i32
      %dma_wait3A_40 = arith.constant 0 : i32
      %dma_wait3A_41 = tpu.memref_slice %arg3[%add3A, %dma_wait3A_39, %dma_wait3A_40] : memref<32x100x100xi32, #tpu.memory_space<hbm>> -> memref<1x100x100xi32, #tpu.memory_space<hbm>>
      %dma_wait3A_42 = tpu.memref_squeeze %dma_wait3A_41 : memref<1x100x100xi32, #tpu.memory_space<hbm>> -> memref<100x100xi32, #tpu.memory_space<hbm>>
      tpu.wait_dma2 semaphore(%run_scoped3A : memref<!tpu.dma_semaphore, #tpu.memory_space<semaphore_mem>>) src(%dma_wait3A_42 : memref<100x100xi32, #tpu.memory_space<hbm>>) dst(%arg7 : memref<100x100xi32, #tpu.memory_space<vmem>>)
      tpu.yield
    }) : () -> ()
    "tpu.region"() ({
      %run_scoped3A = tpu.sem_alloc : memref<!tpu.dma_semaphore, #tpu.memory_space<semaphore_mem>>
      %dma_start3A_28 = arith.constant 0 : i32
      %dma_start3A_29 = arith.constant 0 : i32
      %dma_start3A_30 = tpu.memref_slice %arg4[%add3A, %dma_start3A_28, %dma_start3A_29] : memref<32x100x100xi32, #tpu.memory_space<hbm>> -> memref<1x100x100xi32, #tpu.memory_space<hbm>>
      %dma_start3A_31 = tpu.memref_squeeze %dma_start3A_30 : memref<1x100x100xi32, #tpu.memory_space<hbm>> -> memref<100x100xi32, #tpu.memory_space<hbm>>
      %dma_start3A_32 = arith.constant 0 : i32
      %dma_start3A_33 = arith.constant 0 : i32
      %dma_start3A_34 = tpu.memref_slice %arg4[%add3A, %dma_start3A_32, %dma_start3A_33] : memref<32x100x100xi32, #tpu.memory_space<hbm>> -> memref<1x100x100xi32, #tpu.memory_space<hbm>>
      %dma_start3A_35 = tpu.memref_squeeze %dma_start3A_34 : memref<1x100x100xi32, #tpu.memory_space<hbm>> -> memref<100x100xi32, #tpu.memory_space<hbm>>
      tpu.enqueue_dma source(%dma_start3A_35 : memref<100x100xi32, #tpu.memory_space<hbm>>) target(%arg8 : memref<100x100xi32, #tpu.memory_space<vmem>>) target_semaphore(%run_scoped3A : memref<!tpu.dma_semaphore, #tpu.memory_space<semaphore_mem>>)
      %dma_wait3A = arith.constant 0 : i32
      %dma_wait3A_36 = arith.constant 0 : i32
      %dma_wait3A_37 = tpu.memref_slice %arg4[%add3A, %dma_wait3A, %dma_wait3A_36] : memref<32x100x100xi32, #tpu.memory_space<hbm>> -> memref<1x100x100xi32, #tpu.memory_space<hbm>>
      %dma_wait3A_38 = tpu.memref_squeeze %dma_wait3A_37 : memref<1x100x100xi32, #tpu.memory_space<hbm>> -> memref<100x100xi32, #tpu.memory_space<hbm>>
      %dma_wait3A_39 = arith.constant 0 : i32
      %dma_wait3A_40 = arith.constant 0 : i32
      %dma_wait3A_41 = tpu.memref_slice %arg4[%add3A, %dma_wait3A_39, %dma_wait3A_40] : memref<32x100x100xi32, #tpu.memory_space<hbm>> -> memref<1x100x100xi32, #tpu.memory_space<hbm>>
      %dma_wait3A_42 = tpu.memref_squeeze %dma_wait3A_41 : memref<1x100x100xi32, #tpu.memory_space<hbm>> -> memref<100x100xi32, #tpu.memory_space<hbm>>
      tpu.wait_dma2 semaphore(%run_scoped3A : memref<!tpu.dma_semaphore, #tpu.memory_space<semaphore_mem>>) src(%dma_wait3A_42 : memref<100x100xi32, #tpu.memory_space<hbm>>) dst(%arg8 : memref<100x100xi32, #tpu.memory_space<vmem>>)
      tpu.yield
    }) : () -> ()
    %mul3A_1 = arith.constant 640 : i32
    %mul3A_2 = arith.muli %arg1, %mul3A_1 : i32
    %mul3A_3 = arith.constant 640 : i32
    %mul3A_4 = arith.muli %arg1, %mul3A_3 : i32
    "tpu.region"() ({
      %run_scoped3A = tpu.sem_alloc : memref<!tpu.dma_semaphore, #tpu.memory_space<semaphore_mem>>
      %dma_start3A_28 = arith.constant 0 : i32
      %dma_start3A_29 = tpu.memref_slice %arg11[%mul3A_4, %dma_start3A_28] : memref<10240x128xf32, #tpu.memory_space<vmem_shared>> -> memref<640x128xf32, #tpu.memory_space<vmem_shared>>
      %dma_start3A_30 = arith.constant 0 : i32
      %dma_start3A_31 = tpu.memref_slice %arg5[%mul3A_2, %dma_start3A_30] : memref<10240x128xf32, #tpu.memory_space<hbm>> -> memref<640x128xf32, #tpu.memory_space<hbm>>
      tpu.enqueue_dma source(%dma_start3A_31 : memref<640x128xf32, #tpu.memory_space<hbm>>) target(%dma_start3A_29 : memref<640x128xf32, #tpu.memory_space<vmem_shared>>) target_semaphore(%run_scoped3A : memref<!tpu.dma_semaphore, #tpu.memory_space<semaphore_mem>>)
      %dma_wait3A = arith.constant 0 : i32
      %dma_wait3A_32 = tpu.memref_slice %arg11[%mul3A_4, %dma_wait3A] : memref<10240x128xf32, #tpu.memory_space<vmem_shared>> -> memref<640x128xf32, #tpu.memory_space<vmem_shared>>
      %dma_wait3A_33 = arith.constant 0 : i32
      %dma_wait3A_34 = tpu.memref_slice %arg5[%mul3A_2, %dma_wait3A_33] : memref<10240x128xf32, #tpu.memory_space<hbm>> -> memref<640x128xf32, #tpu.memory_space<hbm>>
      tpu.wait_dma2 semaphore(%run_scoped3A : memref<!tpu.dma_semaphore, #tpu.memory_space<semaphore_mem>>) src(%dma_wait3A_34 : memref<640x128xf32, #tpu.memory_space<hbm>>) dst(%dma_wait3A_32 : memref<640x128xf32, #tpu.memory_space<vmem_shared>>)
      tpu.yield
    }) : () -> ()
    %barrier3A = arith.constant 0 : index
    tpu.barrier barrier_id(%barrier3A)
    %dma_start3A = arith.constant 0 : i32
    %dma_start3A_5 = arith.constant 0 : i32
    %dma_start3A_6 = tpu.memref_slice %arg7[%dma_start3A, %dma_start3A_5] : memref<100x100xi32, #tpu.memory_space<vmem>> -> memref<1x100xi32, #tpu.memory_space<vmem>>
    %dma_start3A_7 = tpu.memref_squeeze %dma_start3A_6 : memref<1x100xi32, #tpu.memory_space<vmem>> -> memref<100xi32, #tpu.memory_space<vmem>>
    %dma_start3A_8 = arith.constant 0 : i32
    %dma_start3A_9 = arith.constant 0 : i32
    %dma_start3A_10 = tpu.memref_slice %arg2[%dma_start3A_8, %dma_start3A_9] : memref<10240x128xf32, #tpu.memory_space<hbm>> -> memref<10240x128xf32, #tpu.memory_space<hbm>>
    tpu.enqueue_indirect_dma source(%dma_start3A_10 : memref<10240x128xf32, #tpu.memory_space<hbm>>) target(%arg9 : memref<100x128xf32, #tpu.memory_space<vmem>>) offsets(%dma_start3A_7 : memref<100xi32, #tpu.memory_space<vmem>>) semaphore(%arg12 : memref<!tpu.dma_semaphore, #tpu.memory_space<semaphore_mem>>)
    %dma_start3A_11 = arith.constant 1 : i32
    %dma_start3A_12 = arith.constant 0 : i32
    %dma_start3A_13 = tpu.memref_slice %arg7[%dma_start3A_11, %dma_start3A_12] : memref<100x100xi32, #tpu.memory_space<vmem>> -> memref<1x100xi32, #tpu.memory_space<vmem>>
    %dma_start3A_14 = tpu.memref_squeeze %dma_start3A_13 : memref<1x100xi32, #tpu.memory_space<vmem>> -> memref<100xi32, #tpu.memory_space<vmem>>
    %dma_start3A_15 = arith.constant 0 : i32
    %dma_start3A_16 = arith.constant 0 : i32
    %dma_start3A_17 = tpu.memref_slice %arg2[%dma_start3A_15, %dma_start3A_16] : memref<10240x128xf32, #tpu.memory_space<hbm>> -> memref<10240x128xf32, #tpu.memory_space<hbm>>
    tpu.enqueue_indirect_dma source(%dma_start3A_17 : memref<10240x128xf32, #tpu.memory_space<hbm>>) target(%arg10 : memref<100x128xf32, #tpu.memory_space<vmem>>) offsets(%dma_start3A_14 : memref<100xi32, #tpu.memory_space<vmem>>) semaphore(%arg13 : memref<!tpu.dma_semaphore, #tpu.memory_space<semaphore_mem>>)
    %scan3A = arith.constant 0 : i32
    %scan3A_18 = arith.constant 0 : i32
    %scan3A_19 = arith.constant 50 : i32
    %scan3A_20 = arith.addi %scan3A_18, %scan3A_19 : i32
    %scan3A_21 = arith.constant 1 : i32
    scf.for %scan3A_28 = %scan3A_18 to %scan3A_20 step %scan3A_21  : i32 {
      %mul3A_29 = arith.constant 2 : i32
      %mul3A_30 = arith.muli %mul3A_29, %scan3A_28 : i32
      %dma_wait3A = arith.constant 0 : i32
      %dma_wait3A_31 = tpu.memref_slice %arg7[%mul3A_30, %dma_wait3A] : memref<100x100xi32, #tpu.memory_space<vmem>> -> memref<1x100xi32, #tpu.memory_space<vmem>>
      %dma_wait3A_32 = tpu.memref_squeeze %dma_wait3A_31 : memref<1x100xi32, #tpu.memory_space<vmem>> -> memref<100xi32, #tpu.memory_space<vmem>>
      %dma_wait3A_33 = arith.constant 0 : i32
      %dma_wait3A_34 = arith.constant 0 : i32
      %dma_wait3A_35 = tpu.memref_slice %arg2[%dma_wait3A_33, %dma_wait3A_34] : memref<10240x128xf32, #tpu.memory_space<hbm>> -> memref<10240x128xf32, #tpu.memory_space<hbm>>
      tpu.wait_indirect_dma semaphore(%arg12 : memref<!tpu.dma_semaphore, #tpu.memory_space<semaphore_mem>>) src(%dma_wait3A_35 : memref<10240x128xf32, #tpu.memory_space<hbm>>) dst(%arg9 : memref<100x128xf32, #tpu.memory_space<vmem>>)
      "tpu.region"() ({
        %run_scoped3A = tpu.sem_alloc : memref<!tpu.dma_semaphore, #tpu.memory_space<semaphore_mem>>
        %dma_start3A_53 = arith.constant 0 : i32
        %dma_start3A_54 = tpu.memref_slice %arg8[%mul3A_30, %dma_start3A_53] : memref<100x100xi32, #tpu.memory_space<vmem>> -> memref<1x100xi32, #tpu.memory_space<vmem>>
        %dma_start3A_55 = tpu.memref_squeeze %dma_start3A_54 : memref<1x100xi32, #tpu.memory_space<vmem>> -> memref<100xi32, #tpu.memory_space<vmem>>
        %dma_start3A_56 = arith.constant 0 : i32
        %dma_start3A_57 = arith.constant 0 : i32
        %dma_start3A_58 = tpu.memref_slice %arg11[%dma_start3A_56, %dma_start3A_57] : memref<10240x128xf32, #tpu.memory_space<vmem_shared>> -> memref<10240x128xf32, #tpu.memory_space<vmem_shared>>
        tpu.enqueue_indirect_dma source(%arg9 : memref<100x128xf32, #tpu.memory_space<vmem>>) target(%dma_start3A_58 : memref<10240x128xf32, #tpu.memory_space<vmem_shared>>) offsets(%dma_start3A_55 : memref<100xi32, #tpu.memory_space<vmem>>) semaphore(%run_scoped3A : memref<!tpu.dma_semaphore, #tpu.memory_space<semaphore_mem>>) {add = true}
        %dma_wait3A_59 = arith.constant 0 : i32
        %dma_wait3A_60 = tpu.memref_slice %arg8[%mul3A_30, %dma_wait3A_59] : memref<100x100xi32, #tpu.memory_space<vmem>> -> memref<1x100xi32, #tpu.memory_space<vmem>>
        %dma_wait3A_61 = tpu.memref_squeeze %dma_wait3A_60 : memref<1x100xi32, #tpu.memory_space<vmem>> -> memref<100xi32, #tpu.memory_space<vmem>>
        %dma_wait3A_62 = arith.constant 0 : i32
        %dma_wait3A_63 = arith.constant 0 : i32
        %dma_wait3A_64 = tpu.memref_slice %arg11[%dma_wait3A_62, %dma_wait3A_63] : memref<10240x128xf32, #tpu.memory_space<vmem_shared>> -> memref<10240x128xf32, #tpu.memory_space<vmem_shared>>
        tpu.wait_indirect_dma semaphore(%run_scoped3A : memref<!tpu.dma_semaphore, #tpu.memory_space<semaphore_mem>>) src(%arg9 : memref<100x128xf32, #tpu.memory_space<vmem>>) dst(%dma_wait3A_64 : memref<10240x128xf32, #tpu.memory_space<vmem_shared>>)
        tpu.yield
      }) : () -> ()
      %lt3A = arith.constant 49 : i32
      %lt3A_36 = arith.cmpi slt, %scan3A_28, %lt3A : i32
      %convert_element_type3A = arith.extui %lt3A_36 : i1 to i32
      %cond3A = arith.constant 0 : i32
      %cond3A_37 = arith.cmpi ne, %convert_element_type3A, %cond3A : i32
      scf.if %cond3A_37 {
        %add3A_53 = arith.constant 2 : i32
        %add3A_54 = arith.addi %mul3A_30, %add3A_53 : i32
        %dma_start3A_55 = arith.constant 0 : i32
        %dma_start3A_56 = tpu.memref_slice %arg7[%add3A_54, %dma_start3A_55] : memref<100x100xi32, #tpu.memory_space<vmem>> -> memref<1x100xi32, #tpu.memory_space<vmem>>
        %dma_start3A_57 = tpu.memref_squeeze %dma_start3A_56 : memref<1x100xi32, #tpu.memory_space<vmem>> -> memref<100xi32, #tpu.memory_space<vmem>>
        %dma_start3A_58 = arith.constant 0 : i32
        %dma_start3A_59 = arith.constant 0 : i32
        %dma_start3A_60 = tpu.memref_slice %arg2[%dma_start3A_58, %dma_start3A_59] : memref<10240x128xf32, #tpu.memory_space<hbm>> -> memref<10240x128xf32, #tpu.memory_space<hbm>>
        tpu.enqueue_indirect_dma source(%dma_start3A_60 : memref<10240x128xf32, #tpu.memory_space<hbm>>) target(%arg9 : memref<100x128xf32, #tpu.memory_space<vmem>>) offsets(%dma_start3A_57 : memref<100xi32, #tpu.memory_space<vmem>>) semaphore(%arg12 : memref<!tpu.dma_semaphore, #tpu.memory_space<semaphore_mem>>)
      } else {
      }
      %add3A_38 = arith.constant 1 : i32
      %add3A_39 = arith.addi %mul3A_30, %add3A_38 : i32
      %dma_wait3A_40 = arith.constant 0 : i32
      %dma_wait3A_41 = tpu.memref_slice %arg7[%add3A_39, %dma_wait3A_40] : memref<100x100xi32, #tpu.memory_space<vmem>> -> memref<1x100xi32, #tpu.memory_space<vmem>>
      %dma_wait3A_42 = tpu.memref_squeeze %dma_wait3A_41 : memref<1x100xi32, #tpu.memory_space<vmem>> -> memref<100xi32, #tpu.memory_space<vmem>>
      %dma_wait3A_43 = arith.constant 0 : i32
      %dma_wait3A_44 = arith.constant 0 : i32
      %dma_wait3A_45 = tpu.memref_slice %arg2[%dma_wait3A_43, %dma_wait3A_44] : memref<10240x128xf32, #tpu.memory_space<hbm>> -> memref<10240x128xf32, #tpu.memory_space<hbm>>
      tpu.wait_indirect_dma semaphore(%arg13 : memref<!tpu.dma_semaphore, #tpu.memory_space<semaphore_mem>>) src(%dma_wait3A_45 : memref<10240x128xf32, #tpu.memory_space<hbm>>) dst(%arg10 : memref<100x128xf32, #tpu.memory_space<vmem>>)
      %add3A_46 = arith.constant 1 : i32
      %add3A_47 = arith.addi %mul3A_30, %add3A_46 : i32
      "tpu.region"() ({
        %run_scoped3A = tpu.sem_alloc : memref<!tpu.dma_semaphore, #tpu.memory_space<semaphore_mem>>
        %dma_start3A_53 = arith.constant 0 : i32
        %dma_start3A_54 = tpu.memref_slice %arg8[%add3A_47, %dma_start3A_53] : memref<100x100xi32, #tpu.memory_space<vmem>> -> memref<1x100xi32, #tpu.memory_space<vmem>>
        %dma_start3A_55 = tpu.memref_squeeze %dma_start3A_54 : memref<1x100xi32, #tpu.memory_space<vmem>> -> memref<100xi32, #tpu.memory_space<vmem>>
        %dma_start3A_56 = arith.constant 0 : i32
        %dma_start3A_57 = arith.constant 0 : i32
        %dma_start3A_58 = tpu.memref_slice %arg11[%dma_start3A_56, %dma_start3A_57] : memref<10240x128xf32, #tpu.memory_space<vmem_shared>> -> memref<10240x128xf32, #tpu.memory_space<vmem_shared>>
        tpu.enqueue_indirect_dma source(%arg10 : memref<100x128xf32, #tpu.memory_space<vmem>>) target(%dma_start3A_58 : memref<10240x128xf32, #tpu.memory_space<vmem_shared>>) offsets(%dma_start3A_55 : memref<100xi32, #tpu.memory_space<vmem>>) semaphore(%run_scoped3A : memref<!tpu.dma_semaphore, #tpu.memory_space<semaphore_mem>>) {add = true}
        %dma_wait3A_59 = arith.constant 0 : i32
        %dma_wait3A_60 = tpu.memref_slice %arg8[%add3A_47, %dma_wait3A_59] : memref<100x100xi32, #tpu.memory_space<vmem>> -> memref<1x100xi32, #tpu.memory_space<vmem>>
        %dma_wait3A_61 = tpu.memref_squeeze %dma_wait3A_60 : memref<1x100xi32, #tpu.memory_space<vmem>> -> memref<100xi32, #tpu.memory_space<vmem>>
        %dma_wait3A_62 = arith.constant 0 : i32
        %dma_wait3A_63 = arith.constant 0 : i32
        %dma_wait3A_64 = tpu.memref_slice %arg11[%dma_wait3A_62, %dma_wait3A_63] : memref<10240x128xf32, #tpu.memory_space<vmem_shared>> -> memref<10240x128xf32, #tpu.memory_space<vmem_shared>>
        tpu.wait_indirect_dma semaphore(%run_scoped3A : memref<!tpu.dma_semaphore, #tpu.memory_space<semaphore_mem>>) src(%arg10 : memref<100x128xf32, #tpu.memory_space<vmem>>) dst(%dma_wait3A_64 : memref<10240x128xf32, #tpu.memory_space<vmem_shared>>)
        tpu.yield
      }) : () -> ()
      %lt3A_48 = arith.constant 49 : i32
      %lt3A_49 = arith.cmpi slt, %scan3A_28, %lt3A_48 : i32
      %convert_element_type3A_50 = arith.extui %lt3A_49 : i1 to i32
      %cond3A_51 = arith.constant 0 : i32
      %cond3A_52 = arith.cmpi ne, %convert_element_type3A_50, %cond3A_51 : i32
      scf.if %cond3A_52 {
        %add3A_53 = arith.constant 3 : i32
        %add3A_54 = arith.addi %mul3A_30, %add3A_53 : i32
        %dma_start3A_55 = arith.constant 0 : i32
        %dma_start3A_56 = tpu.memref_slice %arg7[%add3A_54, %dma_start3A_55] : memref<100x100xi32, #tpu.memory_space<vmem>> -> memref<1x100xi32, #tpu.memory_space<vmem>>
        %dma_start3A_57 = tpu.memref_squeeze %dma_start3A_56 : memref<1x100xi32, #tpu.memory_space<vmem>> -> memref<100xi32, #tpu.memory_space<vmem>>
        %dma_start3A_58 = arith.constant 0 : i32
        %dma_start3A_59 = arith.constant 0 : i32
        %dma_start3A_60 = tpu.memref_slice %arg2[%dma_start3A_58, %dma_start3A_59] : memref<10240x128xf32, #tpu.memory_space<hbm>> -> memref<10240x128xf32, #tpu.memory_space<hbm>>
        tpu.enqueue_indirect_dma source(%dma_start3A_60 : memref<10240x128xf32, #tpu.memory_space<hbm>>) target(%arg10 : memref<100x128xf32, #tpu.memory_space<vmem>>) offsets(%dma_start3A_57 : memref<100xi32, #tpu.memory_space<vmem>>) semaphore(%arg13 : memref<!tpu.dma_semaphore, #tpu.memory_space<semaphore_mem>>)
      } else {
      }
    }
    %scan3A_22 = arith.constant 50 : i32
    %barrier3A_23 = arith.constant 0 : index
    tpu.barrier barrier_id(%barrier3A_23)
    %mul3A_24 = arith.constant 640 : i32
    %mul3A_25 = arith.muli %arg1, %mul3A_24 : i32
    %mul3A_26 = arith.constant 640 : i32
    %mul3A_27 = arith.muli %arg1, %mul3A_26 : i32
    "tpu.region"() ({
      %run_scoped3A = tpu.sem_alloc : memref<!tpu.dma_semaphore, #tpu.memory_space<semaphore_mem>>
      %dma_start3A_28 = arith.constant 0 : i32
      %dma_start3A_29 = arith.constant 0 : i32
      %dma_start3A_30 = tpu.memref_slice %arg6[%arg0, %dma_start3A_28, %dma_start3A_29] : memref<2x10240x128xf32, #tpu.memory_space<hbm>> -> memref<1x10240x128xf32, #tpu.memory_space<hbm>>
      %dma_start3A_31 = tpu.memref_squeeze %dma_start3A_30 : memref<1x10240x128xf32, #tpu.memory_space<hbm>> -> memref<10240x128xf32, #tpu.memory_space<hbm>>
      %dma_start3A_32 = arith.constant 0 : i32
      %dma_start3A_33 = tpu.memref_slice %dma_start3A_31[%mul3A_27, %dma_start3A_32] : memref<10240x128xf32, #tpu.memory_space<hbm>> -> memref<640x128xf32, #tpu.memory_space<hbm>>
      %dma_start3A_34 = arith.constant 0 : i32
      %dma_start3A_35 = tpu.memref_slice %arg11[%mul3A_25, %dma_start3A_34] : memref<10240x128xf32, #tpu.memory_space<vmem_shared>> -> memref<640x128xf32, #tpu.memory_space<vmem_shared>>
      tpu.enqueue_dma source(%dma_start3A_35 : memref<640x128xf32, #tpu.memory_space<vmem_shared>>) target(%dma_start3A_33 : memref<640x128xf32, #tpu.memory_space<hbm>>) target_semaphore(%run_scoped3A : memref<!tpu.dma_semaphore, #tpu.memory_space<semaphore_mem>>)
      %dma_wait3A = arith.constant 0 : i32
      %dma_wait3A_36 = arith.constant 0 : i32
      %dma_wait3A_37 = tpu.memref_slice %arg6[%arg0, %dma_wait3A, %dma_wait3A_36] : memref<2x10240x128xf32, #tpu.memory_space<hbm>> -> memref<1x10240x128xf32, #tpu.memory_space<hbm>>
      %dma_wait3A_38 = tpu.memref_squeeze %dma_wait3A_37 : memref<1x10240x128xf32, #tpu.memory_space<hbm>> -> memref<10240x128xf32, #tpu.memory_space<hbm>>
      %dma_wait3A_39 = arith.constant 0 : i32
      %dma_wait3A_40 = tpu.memref_slice %dma_wait3A_38[%mul3A_27, %dma_wait3A_39] : memref<10240x128xf32, #tpu.memory_space<hbm>> -> memref<640x128xf32, #tpu.memory_space<hbm>>
      %dma_wait3A_41 = arith.constant 0 : i32
      %dma_wait3A_42 = tpu.memref_slice %arg11[%mul3A_25, %dma_wait3A_41] : memref<10240x128xf32, #tpu.memory_space<vmem_shared>> -> memref<640x128xf32, #tpu.memory_space<vmem_shared>>
      tpu.wait_dma2 semaphore(%run_scoped3A : memref<!tpu.dma_semaphore, #tpu.memory_space<semaphore_mem>>) src(%dma_wait3A_42 : memref<640x128xf32, #tpu.memory_space<vmem_shared>>) dst(%dma_wait3A_40 : memref<640x128xf32, #tpu.memory_space<hbm>>)
      tpu.yield
    }) : () -> ()
    return
  }
}

module attributes {stable_mosaic.version = 14 : i64} {
  func.func @_scale_body(%arg0: i32, %arg1: memref<2x32x1024xf32, #tpu.memory_space<vmem>>, %arg2: memref<1024x128xf32, #tpu.memory_space<vmem>>, %arg3: memref<1024x128xf32, #tpu.memory_space<vmem>>) attributes {dimension_semantics = [#tpu.dimension_semantics<arbitrary>], iteration_bounds = array<i64: 10>, scalar_prefetch = 0 : i64, scratch_operands = 0 : i64, tpu.core_type = #tpu.core_type<tc>, window_params = [{transform_indices = @transform_0, window_bounds = array<i64: 2, 32, 1024>}, {transform_indices = @transform_1, window_bounds = array<i64: 1024, 128>}, {transform_indices = @transform_2, window_bounds = array<i64: 1024, 128>}]} {
    %get3A = arith.constant 0 : index
    %get3A_0 = arith.constant 0 : index
    %get3A_1 = arith.constant 0 : index
    %get3A_2 = vector.load %arg1[%get3A, %get3A_0, %get3A_1] : memref<2x32x1024xf32, #tpu.memory_space<vmem>>, vector<1x32x1024xf32>
    %get3A_3 = vector.shape_cast %get3A_2 : vector<1x32x1024xf32> to vector<32x1024xf32>
    %reduce_sum3A = arith.constant dense<0.000000e+00> : vector<1024xf32>
    %reduce_sum3A_4 = vector.multi_reduction <add>, %get3A_3, %reduce_sum3A [0] : vector<32x1024xf32> to vector<1024xf32>
    %max3A = arith.constant 1.000000e+00 : f32
    %max3A_5 = vector.broadcast %max3A : f32 to vector<1024xf32>
    %max3A_6 = arith.maximumf %reduce_sum3A_4, %max3A_5 : vector<1024xf32>
    %rsqrt3A = math.rsqrt %max3A_6 : vector<1024xf32>
    %get3A_7 = arith.constant 0 : index
    %get3A_8 = arith.constant 0 : index
    %get3A_9 = vector.load %arg2[%get3A_7, %get3A_8] : memref<1024x128xf32, #tpu.memory_space<vmem>>, vector<1024x128xf32>
    %broadcast_in_dim3A = vector.shape_cast %rsqrt3A : vector<1024xf32> to vector<1024x1xf32>
    %mul3A = vector.broadcast %broadcast_in_dim3A : vector<1024x1xf32> to vector<1024x128xf32>
    %mul3A_10 = arith.mulf %get3A_9, %mul3A : vector<1024x128xf32>
    %swap3A = arith.constant 0 : index
    %swap3A_11 = arith.constant 0 : index
    %swap3A_12 = vector.load %arg3[%swap3A, %swap3A_11] : memref<1024x128xf32, #tpu.memory_space<vmem>>, vector<1024x128xf32>
    tpu.vector_store %arg3[%swap3A, %swap3A_11], %mul3A_10 {strides = array<i32>} : memref<1024x128xf32, #tpu.memory_space<vmem>>, vector<1024x128xf32>,
    return
  }
  func.func @transform_0(%arg0: i32) -> (i32, i32, i32) {
    %c0_i32 = arith.constant 0 : i32
    %c0_i32_0 = arith.constant 0 : i32
    %c0_i32_1 = arith.constant 0 : i32
    return %c0_i32, %c0_i32_0, %arg0 : i32, i32, i32
  }
  func.func @transform_1(%arg0: i32) -> (i32, i32) {
    %c0_i32 = arith.constant 0 : i32
    %c0_i32_0 = arith.constant 0 : i32
    return %arg0, %c0_i32 : i32, i32
  }
  func.func @transform_2(%arg0: i32) -> (i32, i32) {
    %c0_i32 = arith.constant 0 : i32
    %c0_i32_0 = arith.constant 0 : i32
    return %arg0, %c0_i32 : i32, i32
  }
}

module attributes {stable_mosaic.version = 14 : i64} {
  func.func @_final_body(%arg0: i32, %arg1: memref<2x1024x128xf32, #tpu.memory_space<vmem>>, %arg2: memref<2x32x1024xf32, #tpu.memory_space<vmem>>, %arg3: memref<128x128xf32, #tpu.memory_space<vmem>>, %arg4: memref<1x128xf32, #tpu.memory_space<vmem>>, %arg5: memref<1024x128xf32, #tpu.memory_space<vmem>>) attributes {dimension_semantics = [#tpu.dimension_semantics<arbitrary>], iteration_bounds = array<i64: 10>, scalar_prefetch = 0 : i64, scratch_operands = 0 : i64, tpu.core_type = #tpu.core_type<tc>, window_params = [{transform_indices = @transform_0, window_bounds = array<i64: 2, 1024, 128>}, {transform_indices = @transform_1, window_bounds = array<i64: 2, 32, 1024>}, {pipeline_mode = #tpu.pipeline_mode<synchronous>, transform_indices = @transform_2, window_bounds = array<i64: 128, 128>}, {pipeline_mode = #tpu.pipeline_mode<synchronous>, transform_indices = @transform_3, window_bounds = array<i64: 1, 128>}, {transform_indices = @transform_4, window_bounds = array<i64: 1024, 128>}]} {
    %get3A = arith.constant 0 : index
    %get3A_0 = arith.constant 0 : index
    %get3A_1 = arith.constant 0 : index
    %get3A_2 = vector.load %arg1[%get3A, %get3A_0, %get3A_1] : memref<2x1024x128xf32, #tpu.memory_space<vmem>>, vector<2x1024x128xf32>
    %slice3A = vector.extract_strided_slice %get3A_2 {offsets = [0, 0, 0], sizes = [1, 1024, 128], strides = [1, 1, 1]} : vector<2x1024x128xf32> to vector<1x1024x128xf32>
    %squeeze3A = vector.shape_cast %slice3A : vector<1x1024x128xf32> to vector<1024x128xf32>
    %slice3A_3 = vector.extract_strided_slice %get3A_2 {offsets = [1, 0, 0], sizes = [1, 1024, 128], strides = [1, 1, 1]} : vector<2x1024x128xf32> to vector<1x1024x128xf32>
    %squeeze3A_4 = vector.shape_cast %slice3A_3 : vector<1x1024x128xf32> to vector<1024x128xf32>
    %add3A = arith.addf %squeeze3A, %squeeze3A_4 : vector<1024x128xf32>
    %get3A_5 = arith.constant 1 : index
    %get3A_6 = arith.constant 0 : index
    %get3A_7 = arith.constant 0 : index
    %get3A_8 = vector.load %arg2[%get3A_5, %get3A_6, %get3A_7] : memref<2x32x1024xf32, #tpu.memory_space<vmem>>, vector<1x32x1024xf32>
    %get3A_9 = vector.shape_cast %get3A_8 : vector<1x32x1024xf32> to vector<32x1024xf32>
    %reduce_sum3A = arith.constant dense<0.000000e+00> : vector<1024xf32>
    %reduce_sum3A_10 = vector.multi_reduction <add>, %get3A_9, %reduce_sum3A [0] : vector<32x1024xf32> to vector<1024xf32>
    %max3A = arith.constant 1.000000e+00 : f32
    %max3A_11 = vector.broadcast %max3A : f32 to vector<1024xf32>
    %max3A_12 = arith.maximumf %reduce_sum3A_10, %max3A_11 : vector<1024xf32>
    %rsqrt3A = math.rsqrt %max3A_12 : vector<1024xf32>
    %broadcast_in_dim3A = vector.shape_cast %rsqrt3A : vector<1024xf32> to vector<1024x1xf32>
    %mul3A = vector.broadcast %broadcast_in_dim3A : vector<1024x1xf32> to vector<1024x128xf32>
    %mul3A_13 = arith.mulf %add3A, %mul3A : vector<1024x128xf32>
    %get3A_14 = arith.constant 0 : index
    %get3A_15 = arith.constant 0 : index
    %get3A_16 = vector.load %arg3[%get3A_14, %get3A_15] : memref<128x128xf32, #tpu.memory_space<vmem>>, vector<128x128xf32>
    %dot_general3A = arith.constant dense<0.000000e+00> : vector<1024x128xf32>
    %dot_general3A_17 = tpu.matmul %mul3A_13, %get3A_16, %dot_general3A {dimension_numbers = #tpu.dot_dimension_numbers<[1], [0], [0], [1], [0, 0, 1, 1], [], []>, transpose_lhs_hint = false} : vector<1024x128xf32>, vector<128x128xf32>, vector<1024x128xf32> -> vector<1024x128xf32>
    %get3A_18 = arith.constant 0 : index
    %get3A_19 = arith.constant 0 : index
    %get3A_20 = vector.load %arg4[%get3A_18, %get3A_19] : memref<1x128xf32, #tpu.memory_space<vmem>>, vector<1x128xf32>
    %add3A_21 = vector.broadcast %get3A_20 : vector<1x128xf32> to vector<1024x128xf32>
    %add3A_22 = arith.addf %dot_general3A_17, %add3A_21 : vector<1024x128xf32>
    %max3A_23 = arith.constant 0.000000e+00 : f32
    %max3A_24 = vector.broadcast %max3A_23 : f32 to vector<1024x128xf32>
    %max3A_25 = arith.maximumf %add3A_22, %max3A_24 : vector<1024x128xf32>
    %swap3A = arith.constant 0 : index
    %swap3A_26 = arith.constant 0 : index
    %swap3A_27 = vector.load %arg5[%swap3A, %swap3A_26] : memref<1024x128xf32, #tpu.memory_space<vmem>>, vector<1024x128xf32>
    tpu.vector_store %arg5[%swap3A, %swap3A_26], %max3A_25 {strides = array<i32>} : memref<1024x128xf32, #tpu.memory_space<vmem>>, vector<1024x128xf32>,
    return
  }
  func.func @transform_0(%arg0: i32) -> (i32, i32, i32) {
    %c0_i32 = arith.constant 0 : i32
    %c0_i32_0 = arith.constant 0 : i32
    %c0_i32_1 = arith.constant 0 : i32
    return %c0_i32, %arg0, %c0_i32_0 : i32, i32, i32
  }
  func.func @transform_1(%arg0: i32) -> (i32, i32, i32) {
    %c0_i32 = arith.constant 0 : i32
    %c0_i32_0 = arith.constant 0 : i32
    %c0_i32_1 = arith.constant 0 : i32
    return %c0_i32, %c0_i32_0, %arg0 : i32, i32, i32
  }
  func.func @transform_2(%arg0: i32) -> (i32, i32) {
    %c0_i32 = arith.constant 0 : i32
    %c0_i32_0 = arith.constant 0 : i32
    %c0_i32_1 = arith.constant 0 : i32
    return %c0_i32, %c0_i32_0 : i32, i32
  }
  func.func @transform_3(%arg0: i32) -> (i32, i32) {
    %c0_i32 = arith.constant 0 : i32
    %c0_i32_0 = arith.constant 0 : i32
    %c0_i32_1 = arith.constant 0 : i32
    return %c0_i32, %c0_i32_0 : i32, i32
  }
  func.func @transform_4(%arg0: i32) -> (i32, i32) {
    %c0_i32 = arith.constant 0 : i32
    %c0_i32_0 = arith.constant 0 : i32
    return %arg0, %c0_i32 : i32, i32
  }
}

</mosaic_0001>

<sc_bundles>
// kernel: kernel.6.cloned.1.call-start
scs
__scs_entry_jumppad:
0x0: {  	(pc) =	sbr.rel $0x88, $3  }
0x1: {  	(tag) =	ssettag $0x0;
	lr =	simm.s32 $0x1  }
0x2: {  	[smem:$0x3F9D] =	sst lr;
	_ =	strace $0xD0000000  }
0x3: {  	_ = 	snop  }
0x4: {  	_ = 	snop  }
0x5: {  	_ = 	snop  }
0x6: {  	_ = 	snop  }
0x7: {  	_ = 	snop  }
__scs_overlays_trampoline_lowered:
0x8: {  	[smem:$0x3FAC] =	sst s0  }
0x9: {  	[smem:$0x3FAD] =	sst s1  }
0xa: {  	[smem:$0x3FAE] =	sst s2  }
0xb: {  	[smem:$0x3FAF] =	sst s3  }
0xc: {  	[smem:$0x3FB0] =	sst s4  }
0xd: {  	[smem:$0x3FB1] =	sst s5  }
0xe: {  	[smem:$0x3FB2] =	sst s6  }
0xf: {  	[smem:$0x3FB3] =	sst s7  }
0x10: {  	[smem:$0x3FB4] =	sst s8  }
0x11: {  	[smem:$0x3FB5] =	sst s9;
	s0 =	simm.s32 @!p0 $0x0  }
0x12: {  	s1 =	sld [smem:$0x3F9B];
	s0 =	simm.s32 @p0 $0x1  }
0x13: {  	[smem:$0x3FB6] =	sst s0;
	s0 =	simm.s32 @!p1 $0x0  }
0x14: {  	s2 =	sld [smem:$0x3F9A];
	s0 =	simm.s32 @p1 $0x1  }
0x15: {  	[smem:$0x3FB7] =	sst s0;
	s0 =	simm.s32 @!p2 $0x0  }
0x16: {  	s3 =	sld [smem:$0x3FDB];
	s0 =	simm.s32 @p2 $0x1  }
0x17: {  	s4 =	simm.s32 $0x1BF5;
	[smem:$0x3FB9] =	sst s0  }
0x18: {  	s0 =	sld [smem:$0x3F9C];
	_ =	swait.ge [sflag:s4], $0x0  }
0x19: {  	s7 =	sld [smem:$0x3F9D]  }
0x1a: {  	s8 =	sadd.s32 $0xFFFFE003, lr  }
0x1b: {  	s9 =	sadd.s32 $0xFFFFFEF7, lr;
	s5 =	simm.s32 $0xFFFFFFFF;
	p2 =	slt.u32 s8, $0xFFFFF086  }
0x1c: {  	p1 =	slt.u32 s9, $0xF7A;
	s5 =	simm.s32 @!p2 $0x0  }
0x1d: {  	s5 =	simm.s32 @p1 $0x1;
	p0 =	seq.s32 s7, s2  }
0x1e: {  	s7 =	smul.u32 @!p0 $0xF7A, s2;
	p2 =	seq.s32 @!p0 s5, $0x0  }
0x1f: {  	s9 =	smul.u32 $0xF7A, s1;
	s8 =	simm.s32 @!p0 $0x1BF5;
	p2 =	por !p2, p0  }
0x20: {  	[sflag:s8] =	ssyncset.s32 @!p0 $0xFFFFF086;
	s6 =	sadd.s32 @!p0 s3, s7;
	s7 =	simm.s32 @!p0 $0x108  }
0x21: {  	s3 =	sadd.s32 s3, s9;
	s6 =	sadd.s32 @!p0 $0x88, s6;
	s7 =	simm.s32 @p2 $0x1082  }
0x22: {  	[simem:s7], [sflag:s8] =	dma.local @!p0 [hbm:s6], $0xF7A  }
0x23: {  	s9 =	sor.u32 $0xD0000000, s2;
	s6 =	simm.s32 $0x108;
	_ =	swait.ge @!p0 [sflag:s8], $0x0  }
0x24: {  	s3 =	sadd.s32 $0x88, s3;
	s6 =	simm.s32 @!p1 $0x1082;
	[sflag:s4] =	ssyncset.s32 $0xFFFFF086  }
0x25: {  	[simem:s6], [sflag:s4] =	dma.local [hbm:s3], $0xF7A  }
0x26: {  	[smem:$0x3F9D] =	sst s1;
	(tag) =	ssettag s2;
	_ =	strace s9  }
0x27: {  	s1 =	sld [smem:$0x3FAD]  }
0x28: {  	s2 =	sld [smem:$0x3FAE]  }
0x29: {  	s4 =	sld [smem:$0x3FB0]  }
0x2a: {  	p0 =	seq.s32 s5, $0x0;
	s5 =	sld [smem:$0x3FB1]  }
0x2b: {  	s6 =	sld [smem:$0x3FB2]  }
0x2c: {  	s7 =	sld [smem:$0x3FB3]  }
0x2d: {  	s3 =	simm.s32 $0x108;
	s8 =	sld [smem:$0x3FB4]  }
0x2e: {  	s3 =	simm.s32 @!p0 $0x1082;
	s9 =	sld [smem:$0x3FB5]  }
0x2f: {  	lr =	sadd.s32 s0, s3;
	s0 =	sld [smem:$0x3FAC]  }
0x30: {  	s3 =	sld [smem:$0x3FAF]  }
0x31: {  	[smem:$0x3FB8] =	sst s10  }
0x32: {  	s10 =	sld [smem:$0x3FB6];
	_ =	sdelay $0x3  }
0x33: {  	p0 =	seq.s32 s10, $0x1;
	s10 =	sld [smem:$0x3FB8];
	_ =	sdelay $0x3  }
0x34: {  	[smem:$0x3FB8] =	sst s10  }
0x35: {  	s10 =	sld [smem:$0x3FB7];
	_ =	sdelay $0x3  }
0x36: {  	p1 =	seq.s32 s10, $0x1;
	s10 =	sld [smem:$0x3FB8];
	_ =	sdelay $0x3  }
0x37: {  	[smem:$0x3FB8] =	sst s10  }
0x38: {  	s10 =	sld [smem:$0x3FB9]  }
0x39: {  	_ = 	snop;
	(pc) =	sbr.ind lr, $3  }
0x3a: {  	_ = 	snop  }
0x3b: {  	_ = 	snop  }
0x3c: {  	p2 =	seq.s32 s10, $0x1;
	s10 =	sld [smem:$0x3FB8]  }
0x3d: {  	_ =	shalt  }
0x3e: {  	_ =	shalt  }
0x3f: {  	_ =	shalt  }
0x40: {  	_ =	shalt  }
0x41: {  	_ =	shalt  }
0x42: {  	_ =	shalt  }
0x43: {  	_ =	shalt  }
0x44: {  	_ =	shalt  }
0x45: {  	_ =	shalt  }
0x46: {  	_ =	shalt  }
0x47: {  	_ =	shalt  }
0x48: {  	_ =	shalt  }
0x49: {  	_ =	shalt  }
0x4a: {  	_ =	shalt  }
0x4b: {  	_ =	shalt  }
0x4c: {  	_ =	shalt  }
0x4d: {  	_ =	shalt  }
0x4e: {  	_ =	shalt  }
0x4f: {  	_ =	shalt  }
0x50: {  	_ =	shalt  }
0x51: {  	_ =	shalt  }
0x52: {  	_ =	shalt  }
0x53: {  	_ =	shalt  }
0x54: {  	_ =	shalt  }
0x55: {  	_ =	shalt  }
0x56: {  	_ =	shalt  }
0x57: {  	_ =	shalt  }
0x58: {  	_ =	shalt  }
0x59: {  	_ =	shalt  }
0x5a: {  	_ =	shalt  }
0x5b: {  	_ =	shalt  }
0x5c: {  	_ =	shalt  }
0x5d: {  	_ =	shalt  }
0x5e: {  	_ =	shalt  }
0x5f: {  	_ =	shalt  }
0x60: {  	_ =	shalt  }
0x61: {  	_ =	shalt  }
0x62: {  	_ =	shalt  }
0x63: {  	_ =	shalt  }
0x64: {  	_ =	shalt  }
0x65: {  	_ =	shalt  }
0x66: {  	_ =	shalt  }
0x67: {  	_ =	shalt  }
0x68: {  	_ =	shalt  }
0x69: {  	_ =	shalt  }
0x6a: {  	_ =	shalt  }
0x6b: {  	_ =	shalt  }
0x6c: {  	_ =	shalt  }
0x6d: {  	_ =	shalt  }
0x6e: {  	_ =	shalt  }
0x6f: {  	_ =	shalt  }
0x70: {  	_ =	shalt  }
0x71: {  	_ =	shalt  }
0x72: {  	_ =	shalt  }
0x73: {  	_ =	shalt  }
0x74: {  	_ =	shalt  }
0x75: {  	_ =	shalt  }
0x76: {  	_ =	shalt  }
0x77: {  	_ =	shalt  }
0x78: {  	_ =	shalt  }
0x79: {  	_ =	shalt  }
0x7a: {  	_ =	shalt  }
0x7b: {  	_ =	shalt  }
0x7c: {  	_ =	shalt  }
0x7d: {  	_ =	shalt  }
0x7e: {  	_ =	shalt  }
0x7f: {  	_ =	shalt  }
0x80: {  	_ =	shalt  }
0x81: {  	_ =	shalt  }
0x82: {  	_ =	shalt  }
0x83: {  	_ =	shalt  }
0x84: {  	_ =	shalt  }
0x85: {  	_ =	shalt  }
0x86: {  	_ =	shalt  }
0x87: {  	_ =	shalt  }
.Lfunc_end0:
.L_simem_size_0:
called_computation_lowered:
.L_overlay_start_0:
0x88: {  	s2 =	sld [smem:$0x3FD9]  }
0x89: {  	s3 =	sld [smem:$0x3FFE];
	_ =	sdelay $0x1  }
0x8a: {  	s1 =	srdreg.scid  }
0x8b: {  	s0 =	sand.u32 $0x1, s1  }
0x8c: {  	s17 =	sshll.u32 s0, $0xA;
	s2 =	sadd.s32 s3, s2  }
0x8d: {  	s2 =	sadd.s32 s2, s17  }
0x8e: {  	[smem:$0x3FC4] =	sst s2  }
0x8f: {  	_ = 	snop  }
0x90: {  	s2 =	sld [smem:$0x3FD0];
	(tm) =	ssettm $0x1  }
0x91: {  	s18 =	sld [smem:$0x3FFB];
	_ =	sdelay $0x3  }
0x92: {  	_ =	strace s18  }
0x93: {  	s3 =	sld [smem:$0x3FFC];
	_ =	sdelay $0x3  }
0x94: {  	_ =	strace s3  }
0x95: {  	s3 =	sld [smem:$0x3FFD];
	_ =	sdelay $0x3  }
0x96: {  	_ =	strace s3  }
0x97: {  	_ =	strace $0x8FFFFFFF  }
0x98: {  	s19 =	sld [smem:$0x3FDB];
	_ =	sdelay $0x1  }
0x99: {  	s4 =	simm.s32 $_scs_section_size  }
0x9a: {  	s5 =	simm.s32 $_size__tile_overlayer_lowered;
	s6 =	simm.s32 $_tile_overlayer_lowered  }
0x9b: {  	s22 =	simm.s32 $0x1BFF;
	s21 =	sshll.u32 s6, $0x1;
	s3 =	sadd.s32 s4, s19  }
0x9c: {  	s7 =	simm.s32 $0x0;
	s20 =	sshll.u32 s5, $0x1;
	s5 =	sadd.s32 s21, s3  }
0x9d: {  	[timem:s7], [sflag:s22] =	dma.local [hbm:s5], s20  }
0x9e: {  	_ =	swait.ge [sflag:s22], s20  }
0x9f: {  	s4 =	ssub.s32 $0x0, s20;
	[sflag:s22] =	ssyncset.done $0x0  }
0xa0: {  	[sflag:s22] =	ssyncadd.s32 s4;
	_ =	sdelay $0x1  }
0xa1: {  	s23 =	simm.s32 $0x1B8B  }
0xa2: {  	_ =	swait.ge [sflag:s23], $0x1  }
0xa3: {  	[sflag:s23] =	ssyncset.done $0x0  }
0xa4: {  	s25 =	simm.s32 $0x1B8E;
	s24 =	sld [smem:$0x3FFE];
	[sflag:s23] =	ssyncadd.s32 $0xFFFFFFFF  }
0xa5: {  	s26 =	simm.s32 $execute0_lowered;
	[smem:$0x3FD2] =	sst s25  }
0xa6: {  	s5 =	sshll.u32 s26, $0x1;
	_ =	strace $0x80000046;
	[dreg:$0x1] =	wrdreg $0xFFFFFFFF  }
0xa7: {  	s28 =	simm.s32 $_size_execute0_lowered;
	s3 =	sadd.s32 s3, s5;
	[dreg:$0x0] =	wrdreg $0x0  }
0xa8: {  	s5 =	sshll.u32 s28, $0x1;
	[dreg:$0x2] =	wrdreg s3  }
0xa9: {  	[dreg:$0x3] =	wrdreg s5  }
0xaa: {  	[dreg:$0x4] =	wrdreg $0xC0  }
0xab: {  	_ =	task [dreg:s7], $0x5FFFF  }
0xac: {  	[dreg:$0x1] =	wrdreg $0xFFFFFFFF  }
0xad: {  	[dreg:$0x0] =	wrdreg $0x60  }
0xae: {  	[dreg:$0x2] =	wrdreg s24  }
0xaf: {  	[dreg:$0x3] =	wrdreg s2  }
0xb0: {  	[dreg:$0x4] =	wrdreg $0x9  }
0xb1: {  	_ =	task.clear_ibuf [dreg:s7], $0x5FFFF;
	_ =	strace $0x90000046  }
0xb2: {  	s29 =	simm.s32 $0x9;
	_ =	strace $0x80000048  }
0xb3: {  	_ =	swait.ge [sflag:s29], $0x1  }
0xb4: {  	[sflag:s29] =	ssyncadd.s32 $0xFFFFFFFF  }
0xb5: {  	_ =	strace $0x90000048  }
0xb6: {  	_ =	sfence  }
0xb7: {  	s30 =	sld [smem:$0x0];
	_ =	sdelay $0x2  }
0xb8: {  	s31 =	sshll.u32 s1, $0xD;
	s1 =	sshrl.u32 s1, $0x2  }
0xb9: {  	s3 =	sand.u32 $0x4000, s31;
	s1 =	sadd.s32 s1, s30  }
0xba: {  	s0 =	sor.u32 s3, s0;
	s1 =	sshll.u32 s1, $0x11  }
0xbb: {  	s0 =	sor.u32 s1, s0  }
0xbc: {  	s0 =	sadd.s32 $0x8F2B, s0  }
0xbd: {  	[sflag:s0] =	ssyncadd.remote.s32 $0x1  }
0xbe: {  	_ =	sfence.sel $0xFFFF  }
0xbf: {  	[dreg:$0x0] =	wrdreg $0xFFFFFFFF;
	(pc) =	sbr.abs _section_cstart, $3  }
0xc0: {  	[dreg:$0x1] =	wrdreg $0xFFFFFFFF  }
0xc1: {  	_ =	task.clear_ibuf [dreg:s7], $0x2FFFF;
	_ =	strace $0x9FFFFFFF  }
0xc2: {  	(tm) =	ssettm $0x7FFFFFFF  }
0xc3: {  	_ =	shalt  }
tec
execute0_lowered:
.L_overlay_start_1:
0x0: {  	(tag) =	ssettag $0x1  }
0x1: {  	s1 =	srdreg.scid;
	s7 =	rddreg [dreg:$0x0]  }
0x2: {  	s0 =	stileid.u32;
	s6 =	rddreg [dreg:$0x1]  }
0x3: {  	s2 =	simm.s32 $0x0;
	s10 =	simm.s32 $0x2710;
	s11 =	simm.s32 $0x4E20  }
0x4: {  	s12 =	simm.s32 $0x2;
	s3 =	sand.u32 $0x1, s1;
	s30 =	sshll.u32 s0, $0x1  }
0x5: {  	s13 =	simm.s32 $0x7620;
	s14 =	simm.s32 $0x1;
	s4 =	sor.u32 s3, s30  }
0x6: {  	s15 =	simm.s32 $0x0;
	s1 =	rddreg [dreg:$0x2];
	s5 =	smul.u32 $0x4E2, s4  }
0x7: {  	[smem:$0x7FF] =	sst s2;
	s8 =	ssub.s32 $0x2, s3;
	s4 =	smul.u32 $0x2800, s4  }
0x8: {  	_ =	strace $0x80000047;
	s3 =	sadd.s32 $0x15000, s7;
	s9 =	sshrl.u32 s8, $0x1  }
0x9: {  	s9 =	ssub.s32 s8, s9;
	s5 =	sadd.s32 s5, s7;
	s31 =	sshrl.u32 s4, $0x3  }
0xa: {  	s7 =	sadd.s32 $0x15500, s7;
	s9 =	smax.u32 s9, $0x1;
	s6 =	sadd.s32 s6, s31  }
0xb: {  	v0 =	vimm.f32 $1.000000000e+00;
	s4 =	sadd.s32 $0xB200, s5;
	s5 =	sadd.s32 $0x1400, s5;
	s8 =	sadd.s32 $0xA000, s6  }
.LBB2_1:
0xc: {  	[tilespmem:s2], [sflag:$0x1] =	stream.linear.gather [hbm4b:s4+s2], $0x2710, $0x38;
	[tilespmem:$0x9E20] =	vst v63  }
0xd: {  	_ = 	snop  }
0xe: {  	[tilespmem:s10], [sflag:$0x1] =	stream.linear.gather [hbm4b:s5+s2], $0x2710, $0x38;
	[tilespmem:$0x9E20] =	vst v63  }
0xf: {  	_ = 	snop  }
0x10: {  	[tilespmem:s11], [sflag:$0x2] =	stream.linear.gather [hbm4b:s3+s2], $0x2800, $0x38;
	[tilespmem:$0x9E20] =	vst v63  }
0x11: {  	_ =	swait.ge [sflag:s12], $0x2800  }
0x12: {  	[sflag:s12] =	ssyncset.done $0x0  }
0x13: {  	[sflag:s12] =	ssyncadd.s32 $0xFFFFD800  }
0x14: {  	[tilespmem:s13], [sflag:$0x2] =	stream.linear.gather [hbm4b:s7+s2], $0x2800, $0x38;
	[tilespmem:$0x9E20] =	vst v63  }
0x15: {  	_ =	swait.ge [sflag:s12], $0x2800  }
0x16: {  	[sflag:s12] =	ssyncset.done $0x0  }
0x17: {  	[sflag:s12] =	ssyncadd.s32 $0xFFFFD800  }
0x18: {  	_ =	swait.ge [sflag:s14], $0x2710  }
0x19: {  	[sflag:s14] =	ssyncset.done $0x0  }
0x1a: {  	[sflag:s14] =	ssyncadd.s32 $0xFFFFD8F0  }
0x1b: {  	_ =	swait.ge [sflag:s14], $0x2710  }
0x1c: {  	[sflag:s14] =	ssyncset.done $0x0  }
0x1d: {  	s16 =	simm.s32 $0x20;
	[sflag:s14] =	ssyncadd.s32 $0xFFFFD8F0  }
0x1e: {  	v1 =	vld [tilespmem:s16+$0x10];
	_ =	sdelay $0x1  }
0x1f: {  	v2 =	vld [tilespmem:s16+$0xFFFFFFF0]  }
0x20: {  	v3 =	vld [tilespmem:s16+$0x0]  }
0x21: {  	v4 =	vld [tilespmem:s16+$0xFFFFFFE0];
	_ =	sdelay $0x3  }
0x22: {  	s16 =	simm.s32 $0x2730;
	[tilespmem:v1+s11+$0x0] =	vst.idx.add.f32.msk $0xffff, v0  }
0x23: {  	v1 =	vld [tilespmem:s16+$0x10]  }
0x24: {  	[tilespmem:v2+s11+$0x0] =	vst.idx.add.f32.msk $0xffff, v0  }
0x25: {  	[tilespmem:v3+s11+$0x0] =	vst.idx.add.f32.msk $0xffff, v0  }
0x26: {  	[tilespmem:v4+s11+$0x0] =	vst.idx.add.f32.msk $0xffff, v0  }
0x27: {  	v2 =	vld [tilespmem:s16+$0xFFFFFFE0]  }
0x28: {  	v3 =	vld [tilespmem:s16+$0xFFFFFFF0]  }
0x29: {  	s17 =	simm.s32 $0x0;
	s18 =	simm.s32 $0x60;
	v4 =	vld [tilespmem:s16+$0x0]  }
.LBB2_2:
0x2a: {  	v5 =	vld [tilespmem:s18+$0x10];
	s17 =	sadd.s32 $0x4, s17  }
0x2b: {  	p0 =	slt.u32 s17, $0x26C;
	[tilespmem:v1+s13+$0x0] =	vst.idx.add.f32.msk $0xffff, v0  }
0x2c: {  	v6 =	vld [tilespmem:s18+$0xFFFFFFF0]  }
0x2d: {  	v7 =	vld [tilespmem:s18+$0x0]  }
0x2e: {  	v8 =	vld [tilespmem:s18+$0xFFFFFFE0]  }
0x2f: {  	[tilespmem:v2+s13+$0x0] =	vst.idx.add.f32.msk $0xffff, v0  }
0x30: {  	[tilespmem:v3+s13+$0x0] =	vst.idx.add.f32.msk $0xffff, v0  }
0x31: {  	[tilespmem:v4+s13+$0x0] =	vst.idx.add.f32.msk $0xffff, v0  }
0x32: {  	s16 =	sadd.s32 $0x40, s16;
	[tilespmem:v5+s11+$0x0] =	vst.idx.add.f32.msk $0xffff, v0  }
0x33: {  	v1 =	vld [tilespmem:s16+$0x10]  }
0x34: {  	[tilespmem:v6+s11+$0x0] =	vst.idx.add.f32.msk $0xffff, v0  }
.Ltmp0:
0x35: {  	[tilespmem:v7+s11+$0x0] =	vst.idx.add.f32.msk $0xffff, v0;
	(pc) =	sbr.rel @p0 .LBB2_2-.Ltmp0, $4  }
0x36: {  	[tilespmem:v8+s11+$0x0] =	vst.idx.add.f32.msk $0xffff, v0  }
0x37: {  	v2 =	vld [tilespmem:s16+$0xFFFFFFE0]  }
0x38: {  	v3 =	vld [tilespmem:s16+$0xFFFFFFF0]  }
0x39: {  	s18 =	sadd.s32 $0x40, s18;
	v4 =	vld [tilespmem:s16+$0x0]  }
0x3a: {  	_ =	sdelay $0x4  }
0x3b: {  	[tilespmem:v1+s13+$0x0] =	vst.idx.add.f32.msk $0xffff, v0  }
0x3c: {  	[tilespmem:v2+s13+$0x0] =	vst.idx.add.f32.msk $0xffff, v0  }
0x3d: {  	[tilespmem:v3+s13+$0x0] =	vst.idx.add.f32.msk $0xffff, v0  }
0x3e: {  	[tilespmem:v4+s13+$0x0] =	vst.idx.add.f32.msk $0xffff, v0  }
0x3f: {  	v1 =	vld [tilespmem:$0x2700];
	_ =	sdelay $0x7  }
0x40: {  	[tilespmem:v1+s11+$0x0] =	vst.idx.add.f32.msk $0xffff, v0  }
0x41: {  	v1 =	vld [tilespmem:$0x4E10];
	_ =	sdelay $0x7  }
0x42: {  	[tilespmem:v1+s13+$0x0] =	vst.idx.add.f32.msk $0xffff, v0  }
0x43: {  	[hbm4b:s6+s2] =	stream.linear.scatter [tilespmem:s11], [sflag:$0x2], $0x2800, $0x38;
	[tilespmem:$0x9E20] =	vst v63  }
0x44: {  	s15 =	sadd.s32 $0x1, s15;
	_ =	swait.ge [sflag:s12], $0x2800  }
0x45: {  	p0 =	sne.s32 s15, s9;
	[sflag:s12] =	ssyncset.done $0x0  }
.Ltmp1:
0x46: {  	[sflag:s12] =	ssyncadd.s32 $0xFFFFD800;
	(pc) =	sbr.rel @p0 .LBB2_1-.Ltmp1, $4  }
0x47: {  	[hbm4b:s8+s2] =	stream.linear.scatter [tilespmem:s13], [sflag:$0x2], $0x2800, $0x38;
	[tilespmem:$0x9E20] =	vst v63  }
0x48: {  	_ =	swait.ge [sflag:s12], $0x2800  }
0x49: {  	[sflag:s12] =	ssyncset.done $0x0  }
0x4a: {  	[sflag:s12] =	ssyncadd.s32 $0xFFFFD800  }
0x4b: {  	_ =	sfence.sel $0x180000  }
0x4c: {  	[bflag:$0x0] =	sbarrier.arrive $0xFFFF  }
0x4d: {  	p0 =	sne.s32 s0, $0x0;
	_ =	strace $0x90000047  }
0x4e: {  	s0 =	sadd.s32 @!p0 $0x100000, s1;
	[bflag:$0x2] =	sbarrier.arrive $0xFFFF  }
0x4f: {  	[sflag:s0] =	ssyncadd.tile.s32 @!p0 $0x1;
	_ =	shalt  }
.Lfunc_end2:
_tile_overlayer_lowered:
.L_overlay_start_2:
0x50: {  	(tag) =	ssettag $0x2  }
0x51: {  	s0 =	rddreg [dreg:$0x0];
	s2 =	stileid.u32  }
0x52: {  	s1 =	rddreg [dreg:$0x1];
	p0 =	sne.s32 s2, $0x0  }
0x53: {  	s3 =	rddreg [dreg:$0x2];
	[bflag:$0x3] =	sbarrier.arrive $0xFFFF;
	s2 =	simm.s32 @!p0 $0x1C02  }
0x54: {  	[timem:s3], [sflag:s2] =	dma.local @!p0 [hbm:s0], s1  }
0x55: {  	s0 =	simm.s32 @!p0 $0x2  }
0x56: {  	_ =	swait.ge @!p0 [sflag:s0], s1  }
0x57: {  	s1 =	ssub.s32 @!p0 $0x0, s1;
	[sflag:s0] =	ssyncset.done @!p0 $0x0  }
0x58: {  	[sflag:s0] =	ssyncadd.s32 @!p0 s1  }
0x59: {  	[bflag:$0x3] =	sbarrier.arrive $0xFFFF  }
0x5a: {  	_ =	shalt  }

// kernel: kernel.9.cloned.1.call-start
scs
__scs_entry_jumppad:
0x0: {  	(pc) =	sbr.rel $0x88, $3  }
0x1: {  	(tag) =	ssettag $0x0;
	lr =	simm.s32 $0x1  }
0x2: {  	[smem:$0x3F9D] =	sst lr;
	_ =	strace $0xD0000000  }
0x3: {  	_ = 	snop  }
0x4: {  	_ = 	snop  }
0x5: {  	_ = 	snop  }
0x6: {  	_ = 	snop  }
0x7: {  	_ = 	snop  }
__scs_overlays_trampoline_lowered:
0x8: {  	[smem:$0x3FAC] =	sst s0  }
0x9: {  	[smem:$0x3FAD] =	sst s1  }
0xa: {  	[smem:$0x3FAE] =	sst s2  }
0xb: {  	[smem:$0x3FAF] =	sst s3  }
0xc: {  	[smem:$0x3FB0] =	sst s4  }
0xd: {  	[smem:$0x3FB1] =	sst s5  }
0xe: {  	[smem:$0x3FB2] =	sst s6  }
0xf: {  	[smem:$0x3FB3] =	sst s7  }
0x10: {  	[smem:$0x3FB4] =	sst s8  }
0x11: {  	[smem:$0x3FB5] =	sst s9;
	s0 =	simm.s32 @!p0 $0x0  }
0x12: {  	s1 =	sld [smem:$0x3F9B];
	s0 =	simm.s32 @p0 $0x1  }
0x13: {  	[smem:$0x3FB6] =	sst s0;
	s0 =	simm.s32 @!p1 $0x0  }
0x14: {  	s2 =	sld [smem:$0x3F9A];
	s0 =	simm.s32 @p1 $0x1  }
0x15: {  	[smem:$0x3FB7] =	sst s0;
	s0 =	simm.s32 @!p2 $0x0  }
0x16: {  	s3 =	sld [smem:$0x3FDB];
	s0 =	simm.s32 @p2 $0x1  }
0x17: {  	s4 =	simm.s32 $0x1BF5;
	[smem:$0x3FB9] =	sst s0  }
0x18: {  	s0 =	sld [smem:$0x3F9C];
	_ =	swait.ge [sflag:s4], $0x0  }
0x19: {  	s7 =	sld [smem:$0x3F9D]  }
0x1a: {  	s8 =	sadd.s32 $0xFFFFE003, lr  }
0x1b: {  	s9 =	sadd.s32 $0xFFFFFEF7, lr;
	s5 =	simm.s32 $0xFFFFFFFF;
	p2 =	slt.u32 s8, $0xFFFFF086  }
0x1c: {  	p1 =	slt.u32 s9, $0xF7A;
	s5 =	simm.s32 @!p2 $0x0  }
0x1d: {  	s5 =	simm.s32 @p1 $0x1;
	p0 =	seq.s32 s7, s2  }
0x1e: {  	s7 =	smul.u32 @!p0 $0xF7A, s2;
	p2 =	seq.s32 @!p0 s5, $0x0  }
0x1f: {  	s9 =	smul.u32 $0xF7A, s1;
	s8 =	simm.s32 @!p0 $0x1BF5;
	p2 =	por !p2, p0  }
0x20: {  	[sflag:s8] =	ssyncset.s32 @!p0 $0xFFFFF086;
	s6 =	sadd.s32 @!p0 s3, s7;
	s7 =	simm.s32 @!p0 $0x108  }
0x21: {  	s3 =	sadd.s32 s3, s9;
	s6 =	sadd.s32 @!p0 $0x88, s6;
	s7 =	simm.s32 @p2 $0x1082  }
0x22: {  	[simem:s7], [sflag:s8] =	dma.local @!p0 [hbm:s6], $0xF7A  }
0x23: {  	s9 =	sor.u32 $0xD0000000, s2;
	s6 =	simm.s32 $0x108;
	_ =	swait.ge @!p0 [sflag:s8], $0x0  }
0x24: {  	s3 =	sadd.s32 $0x88, s3;
	s6 =	simm.s32 @!p1 $0x1082;
	[sflag:s4] =	ssyncset.s32 $0xFFFFF086  }
0x25: {  	[simem:s6], [sflag:s4] =	dma.local [hbm:s3], $0xF7A  }
0x26: {  	[smem:$0x3F9D] =	sst s1;
	(tag) =	ssettag s2;
	_ =	strace s9  }
0x27: {  	s1 =	sld [smem:$0x3FAD]  }
0x28: {  	s2 =	sld [smem:$0x3FAE]  }
0x29: {  	s4 =	sld [smem:$0x3FB0]  }
0x2a: {  	p0 =	seq.s32 s5, $0x0;
	s5 =	sld [smem:$0x3FB1]  }
0x2b: {  	s6 =	sld [smem:$0x3FB2]  }
0x2c: {  	s7 =	sld [smem:$0x3FB3]  }
0x2d: {  	s3 =	simm.s32 $0x108;
	s8 =	sld [smem:$0x3FB4]  }
0x2e: {  	s3 =	simm.s32 @!p0 $0x1082;
	s9 =	sld [smem:$0x3FB5]  }
0x2f: {  	lr =	sadd.s32 s0, s3;
	s0 =	sld [smem:$0x3FAC]  }
0x30: {  	s3 =	sld [smem:$0x3FAF]  }
0x31: {  	[smem:$0x3FB8] =	sst s10  }
0x32: {  	s10 =	sld [smem:$0x3FB6];
	_ =	sdelay $0x3  }
0x33: {  	p0 =	seq.s32 s10, $0x1;
	s10 =	sld [smem:$0x3FB8];
	_ =	sdelay $0x3  }
0x34: {  	[smem:$0x3FB8] =	sst s10  }
0x35: {  	s10 =	sld [smem:$0x3FB7];
	_ =	sdelay $0x3  }
0x36: {  	p1 =	seq.s32 s10, $0x1;
	s10 =	sld [smem:$0x3FB8];
	_ =	sdelay $0x3  }
0x37: {  	[smem:$0x3FB8] =	sst s10  }
0x38: {  	s10 =	sld [smem:$0x3FB9]  }
0x39: {  	_ = 	snop;
	(pc) =	sbr.ind lr, $3  }
0x3a: {  	_ = 	snop  }
0x3b: {  	_ = 	snop  }
0x3c: {  	p2 =	seq.s32 s10, $0x1;
	s10 =	sld [smem:$0x3FB8]  }
0x3d: {  	_ =	shalt  }
0x3e: {  	_ =	shalt  }
0x3f: {  	_ =	shalt  }
0x40: {  	_ =	shalt  }
0x41: {  	_ =	shalt  }
0x42: {  	_ =	shalt  }
0x43: {  	_ =	shalt  }
0x44: {  	_ =	shalt  }
0x45: {  	_ =	shalt  }
0x46: {  	_ =	shalt  }
0x47: {  	_ =	shalt  }
0x48: {  	_ =	shalt  }
0x49: {  	_ =	shalt  }
0x4a: {  	_ =	shalt  }
0x4b: {  	_ =	shalt  }
0x4c: {  	_ =	shalt  }
0x4d: {  	_ =	shalt  }
0x4e: {  	_ =	shalt  }
0x4f: {  	_ =	shalt  }
0x50: {  	_ =	shalt  }
0x51: {  	_ =	shalt  }
0x52: {  	_ =	shalt  }
0x53: {  	_ =	shalt  }
0x54: {  	_ =	shalt  }
0x55: {  	_ =	shalt  }
0x56: {  	_ =	shalt  }
0x57: {  	_ =	shalt  }
0x58: {  	_ =	shalt  }
0x59: {  	_ =	shalt  }
0x5a: {  	_ =	shalt  }
0x5b: {  	_ =	shalt  }
0x5c: {  	_ =	shalt  }
0x5d: {  	_ =	shalt  }
0x5e: {  	_ =	shalt  }
0x5f: {  	_ =	shalt  }
0x60: {  	_ =	shalt  }
0x61: {  	_ =	shalt  }
0x62: {  	_ =	shalt  }
0x63: {  	_ =	shalt  }
0x64: {  	_ =	shalt  }
0x65: {  	_ =	shalt  }
0x66: {  	_ =	shalt  }
0x67: {  	_ =	shalt  }
0x68: {  	_ =	shalt  }
0x69: {  	_ =	shalt  }
0x6a: {  	_ =	shalt  }
0x6b: {  	_ =	shalt  }
0x6c: {  	_ =	shalt  }
0x6d: {  	_ =	shalt  }
0x6e: {  	_ =	shalt  }
0x6f: {  	_ =	shalt  }
0x70: {  	_ =	shalt  }
0x71: {  	_ =	shalt  }
0x72: {  	_ =	shalt  }
0x73: {  	_ =	shalt  }
0x74: {  	_ =	shalt  }
0x75: {  	_ =	shalt  }
0x76: {  	_ =	shalt  }
0x77: {  	_ =	shalt  }
0x78: {  	_ =	shalt  }
0x79: {  	_ =	shalt  }
0x7a: {  	_ =	shalt  }
0x7b: {  	_ =	shalt  }
0x7c: {  	_ =	shalt  }
0x7d: {  	_ =	shalt  }
0x7e: {  	_ =	shalt  }
0x7f: {  	_ =	shalt  }
0x80: {  	_ =	shalt  }
0x81: {  	_ =	shalt  }
0x82: {  	_ =	shalt  }
0x83: {  	_ =	shalt  }
0x84: {  	_ =	shalt  }
0x85: {  	_ =	shalt  }
0x86: {  	_ =	shalt  }
0x87: {  	_ =	shalt  }
.Lfunc_end0:
.L_simem_size_0:
called_computation.1_lowered:
.L_overlay_start_0:
0x88: {  	s2 =	sld [smem:$0x3FD9]  }
0x89: {  	s3 =	sld [smem:$0x3FFE];
	_ =	sdelay $0x1  }
0x8a: {  	s1 =	srdreg.scid  }
0x8b: {  	s0 =	sand.u32 $0x1, s1  }
0x8c: {  	s16 =	sshll.u32 s0, $0xA;
	s2 =	sadd.s32 s3, s2  }
0x8d: {  	s2 =	sadd.s32 s2, s16  }
0x8e: {  	[smem:$0x3FC4] =	sst s2  }
0x8f: {  	_ = 	snop  }
0x90: {  	(tm) =	ssettm $0x1  }
0x91: {  	s17 =	sld [smem:$0x3FFB];
	_ =	sdelay $0x3  }
0x92: {  	_ =	strace s17  }
0x93: {  	s2 =	sld [smem:$0x3FFC];
	_ =	sdelay $0x3  }
0x94: {  	_ =	strace s2  }
0x95: {  	s2 =	sld [smem:$0x3FFD];
	_ =	sdelay $0x3  }
0x96: {  	_ =	strace s2  }
0x97: {  	_ =	strace $0x8FFFFFFF  }
0x98: {  	s18 =	sld [smem:$0x3FDB];
	_ =	sdelay $0x1  }
0x99: {  	s19 =	simm.s32 $_scs_section_size  }
0x9a: {  	s4 =	simm.s32 $_size__tile_overlayer_lowered;
	s5 =	simm.s32 $_tile_overlayer_lowered  }
0x9b: {  	s22 =	simm.s32 $0x1BFF;
	s21 =	sshll.u32 s5, $0x1;
	s2 =	sadd.s32 s19, s18  }
0x9c: {  	s6 =	simm.s32 $0x0;
	s20 =	sshll.u32 s4, $0x1;
	s4 =	sadd.s32 s21, s2  }
0x9d: {  	[timem:s6], [sflag:s22] =	dma.local [hbm:s4], s20  }
0x9e: {  	_ =	swait.ge [sflag:s22], s20  }
0x9f: {  	s3 =	ssub.s32 $0x0, s20;
	[sflag:s22] =	ssyncset.done $0x0  }
0xa0: {  	[sflag:s22] =	ssyncadd.s32 s3;
	_ =	sdelay $0x1  }
0xa1: {  	s23 =	simm.s32 $0x1B8B  }
0xa2: {  	_ =	swait.ge [sflag:s23], $0x1  }
0xa3: {  	[sflag:s23] =	ssyncset.done $0x0  }
0xa4: {  	s25 =	simm.s32 $0x1B8E;
	s24 =	sld [smem:$0x3FFE];
	[sflag:s23] =	ssyncadd.s32 $0xFFFFFFFF  }
0xa5: {  	s26 =	simm.s32 $execute0_lowered;
	[smem:$0x3FD2] =	sst s25  }
0xa6: {  	s4 =	sshll.u32 s26, $0x1;
	_ =	strace $0x80000049;
	[dreg:$0x1] =	wrdreg $0xFFFFFFFF  }
0xa7: {  	s28 =	simm.s32 $_size_execute0_lowered;
	s2 =	sadd.s32 s2, s4;
	[dreg:$0x0] =	wrdreg $0x0  }
0xa8: {  	s4 =	sshll.u32 s28, $0x1;
	[dreg:$0x2] =	wrdreg s2  }
0xa9: {  	[dreg:$0x3] =	wrdreg s4  }
0xaa: {  	[dreg:$0x4] =	wrdreg $0xC0  }
0xab: {  	_ =	task [dreg:s6], $0x5FFFF  }
0xac: {  	[dreg:$0x1] =	wrdreg $0xFFFFFFFF  }
0xad: {  	[dreg:$0x0] =	wrdreg $0x60  }
0xae: {  	[dreg:$0x2] =	wrdreg s24  }
0xaf: {  	[dreg:$0x3] =	wrdreg $0xB5400  }
0xb0: {  	[dreg:$0x4] =	wrdreg $0x9  }
0xb1: {  	_ =	task.clear_ibuf [dreg:s6], $0x5FFFF;
	_ =	strace $0x90000049  }
0xb2: {  	s29 =	simm.s32 $0x9;
	_ =	strace $0x8000004B  }
0xb3: {  	_ =	swait.ge [sflag:s29], $0x1  }
0xb4: {  	[sflag:s29] =	ssyncadd.s32 $0xFFFFFFFF  }
0xb5: {  	_ =	strace $0x9000004B  }
0xb6: {  	_ =	sfence  }
0xb7: {  	s30 =	sld [smem:$0x0];
	_ =	sdelay $0x2  }
0xb8: {  	s31 =	sshll.u32 s1, $0xD;
	s1 =	sshrl.u32 s1, $0x2  }
0xb9: {  	s3 =	sand.u32 $0x4000, s31;
	s1 =	sadd.s32 s1, s30  }
0xba: {  	s0 =	sor.u32 s3, s0;
	s1 =	sshll.u32 s1, $0x11  }
0xbb: {  	s0 =	sor.u32 s1, s0  }
0xbc: {  	s0 =	sadd.s32 $0x8F2B, s0  }
0xbd: {  	[sflag:s0] =	ssyncadd.remote.s32 $0x1  }
0xbe: {  	_ =	sfence.sel $0xFFFF  }
0xbf: {  	[dreg:$0x0] =	wrdreg $0xFFFFFFFF;
	(pc) =	sbr.abs _section_cstart, $3  }
0xc0: {  	[dreg:$0x1] =	wrdreg $0xFFFFFFFF  }
0xc1: {  	_ =	task.clear_ibuf [dreg:s6], $0x2FFFF;
	_ =	strace $0x9FFFFFFF  }
0xc2: {  	(tm) =	ssettm $0x7FFFFFFF  }
0xc3: {  	_ =	shalt  }
tec
execute0_lowered:
.L_overlay_start_1:
0x0: {  	(tag) =	ssettag $0x1  }
0x1: {  	s5 =	rddreg [dreg:$0x0];
	s1 =	srdreg.scid  }
0x2: {  	s0 =	stileid.u32;
	s2 =	rddreg [dreg:$0x1]  }
0x3: {  	s3 =	simm.s32 $0x0;
	s13 =	simm.s32 $0x64;
	s14 =	simm.s32 $0x5140  }
0x4: {  	s15 =	simm.s32 $0x68;
	s16 =	simm.s32 $0x8340;
	s17 =	simm.s32 $0x1  }
0x5: {  	s18 =	simm.s32 $0x2;
	s19 =	simm.s32 $0x5070;
	s20 =	simm.s32 $0x50D8  }
0x6: {  	s6 =	sand.u32 $0x1, s1;
	s4 =	sshll.u32 s0, $0x1;
	s1 =	rddreg [dreg:$0x2]  }
0x7: {  	[smem:$0x7FF] =	sst s3;
	s8 =	smul.u32 $0x14000, s0;
	s31 =	sshll.u32 s0, $0x6  }
0x8: {  	s4 =	sor.u32 s6, s4;
	_ =	strace $0x8000004A;
	s9 =	smul.u32 $0x28000, s6  }
0x9: {  	s6 =	ssub.s32 $0x2, s6;
	s7 =	smul.u32 $0x514, s4;
	s4 =	sadd.s32 $0x2A200, s5  }
0xa: {  	s21 =	sshrl.u32 s8, $0x3;
	s10 =	sshrl.u32 s6, $0x1;
	s12 =	sadd.s32 s8, s2  }
0xb: {  	s11 =	sadd.s32 s21, s5;
	s9 =	sadd.s32 s9, s5;
	s10 =	ssub.s32 s6, s10  }
0xc: {  	s12 =	sshrl.u32 s12, $0x3;
	s7 =	sadd.s32 s7, s5;
	s22 =	sadd.s32 $0x7A200, s9  }
0xd: {  	s8 =	smax.u32 s10, $0x1;
	s9 =	simm.s32 $0x3;
	s10 =	simm.s32 $0x28A0  }
0xe: {  	s5 =	sadd.s32 $0x1FE00, s7;
	s6 =	sadd.s32 $0x15A00, s7;
	s7 =	sadd.s32 $0x52200, s11  }
0xf: {  	s11 =	sor.u32 $0x1C03, s31;
	s21 =	sadd.s32 s21, s22;
	s22 =	simm.s32 $0x0  }
.LBB2_1:
0x10: {  	[tilespmem:s3], [sflag:$0x3] =	stream.linear.gather [hbm4b:s5+s3], $0x28A0, $0x38;
	[tilespmem:$0x1F540] =	vst v63  }
0x11: {  	_ =	swait.ge [sflag:s9], $0x28A0  }
0x12: {  	[sflag:s9] =	ssyncset.done $0x0  }
0x13: {  	[sflag:s9] =	ssyncadd.s32 $0xFFFFD760  }
0x14: {  	[tilespmem:s10], [sflag:$0x3] =	stream.linear.gather [hbm4b:s6+s3], $0x28A0, $0x38;
	[tilespmem:$0x1F540] =	vst v63  }
0x15: {  	_ =	swait.ge [sflag:s9], $0x28A0  }
0x16: {  	[sflag:s9] =	ssyncset.done $0x0  }
0x17: {  	[sflag:s9] =	ssyncadd.s32 $0xFFFFD760  }
0x18: {  	[spmem:s12], [sflag:s11] =	dma.local [hbm:s7], $0x2800  }
0x19: {  	_ =	swait.ge [sflag:s9], $0x2800  }
0x1a: {  	[sflag:s9] =	ssyncset.done $0x0  }
0x1b: {  	[sflag:s9] =	ssyncadd.s32 $0xFFFFD800  }
0x1c: {  	[bflag:$0x0] =	sbarrier.arrive $0xFFFF  }
0x1d: {  	[tilespmem:s14], [sflag:$0x1] =	stream.indirect.gather [hbm4b:s4+s13], $0x80, s3, s13, $0xb8;
	[tilespmem:$0x1F540] =	vst v63  }
0x1e: {  	_ = 	snop  }
0x1f: {  	[tilespmem:s16], [sflag:$0x2] =	stream.indirect.gather [hbm4b:s4+s13], $0x80, s15, s13, $0xb8;
	[tilespmem:$0x1F540] =	vst v63  }
0x20: {  	_ =	swait.ge [sflag:s17], $0x3200  }
0x21: {  	[sflag:s17] =	ssyncset.done $0x0  }
0x22: {  	s23 =	simm.s32 $0x28A0;
	[sflag:s17] =	ssyncadd.s32 $0xFFFFCE00  }
0x23: {  	[spmem:s2] =	stream.indirect.scatter.add.f32 [tilespmem:s14], [sflag:$0x3], $0x80, s23, s13, $0xb8;
	[tilespmem:$0x1F540] =	vst v63  }
0x24: {  	_ =	swait.ge [sflag:s9], $0x3200  }
0x25: {  	[sflag:s9] =	ssyncset.done $0x0  }
0x26: {  	s30 =	simm.s32 $0xD0;
	[sflag:s9] =	ssyncadd.s32 $0xFFFFCE00  }
0x27: {  	[tilespmem:s14], [sflag:$0x1] =	stream.indirect.gather [hbm4b:s4+s13], $0x80, s30, s13, $0xb8;
	[tilespmem:$0x1F540] =	vst v63  }
0x28: {  	_ =	swait.ge [sflag:s18], $0x3200  }
0x29: {  	[sflag:s18] =	ssyncset.done $0x0  }
0x2a: {  	s31 =	simm.s32 $0x2908;
	[sflag:s18] =	ssyncadd.s32 $0xFFFFCE00  }
0x2b: {  	[spmem:s2] =	stream.indirect.scatter.add.f32 [tilespmem:s16], [sflag:$0x3], $0x80, s31, s13, $0xb8;
	[tilespmem:$0x1F540] =	vst v63  }
0x2c: {  	_ =	swait.ge [sflag:s9], $0x3200  }
0x2d: {  	[sflag:s9] =	ssyncset.done $0x0  }
0x2e: {  	s24 =	simm.s32 $0x138;
	s23 =	simm.s32 $0x340;
	[sflag:s9] =	ssyncadd.s32 $0xFFFFCE00  }
.LBB2_2:
0x2f: {  	[tilespmem:s16], [sflag:$0x2] =	stream.indirect.gather [hbm4b:s4+s13], $0x80, s24, s13, $0xb8;
	[tilespmem:$0x1F540] =	vst v63  }
0x30: {  	s24 =	smov.u32 s23  }
0x31: {  	p0 =	sne.s32 s23, $0x9C00;
	s23 =	sadd.s32 $0x340, s23;
	_ =	swait.ge [sflag:s17], $0x3200  }
0x32: {  	s24 =	sshra.s32 s24, $0x2;
	[sflag:s17] =	ssyncset.done $0x0  }
0x33: {  	s25 =	sadd.s32 $0x28A0, s24;
	[sflag:s17] =	ssyncadd.s32 $0xFFFFCE00  }
0x34: {  	[spmem:s2] =	stream.indirect.scatter.add.f32 [tilespmem:s14], [sflag:$0x3], $0x80, s25, s13, $0xb8;
	[tilespmem:$0x1F540] =	vst v63  }
0x35: {  	_ =	swait.ge [sflag:s9], $0x3200  }
0x36: {  	[sflag:s9] =	ssyncset.done $0x0  }
0x37: {  	s25 =	sadd.s32 $0xD0, s24;
	[sflag:s9] =	ssyncadd.s32 $0xFFFFCE00  }
0x38: {  	[tilespmem:s14], [sflag:$0x1] =	stream.indirect.gather [hbm4b:s4+s13], $0x80, s25, s13, $0xb8;
	[tilespmem:$0x1F540] =	vst v63  }
0x39: {  	_ =	swait.ge [sflag:s18], $0x3200  }
0x3a: {  	[sflag:s18] =	ssyncset.done $0x0  }
.Ltmp0:
0x3b: {  	s25 =	sadd.s32 $0x2908, s24;
	[sflag:s18] =	ssyncadd.s32 $0xFFFFCE00;
	(pc) =	sbr.rel @p0 .LBB2_2-.Ltmp0, $4  }
0x3c: {  	[spmem:s2] =	stream.indirect.scatter.add.f32 [tilespmem:s16], [sflag:$0x3], $0x80, s25, s13, $0xb8;
	[tilespmem:$0x1F540] =	vst v63  }
0x3d: {  	_ =	swait.ge [sflag:s9], $0x3200  }
0x3e: {  	[sflag:s9] =	ssyncset.done $0x0  }
0x3f: {  	s24 =	sadd.s32 $0x138, s24;
	[sflag:s9] =	ssyncadd.s32 $0xFFFFCE00  }
0x40: {  	[tilespmem:s16], [sflag:$0x2] =	stream.indirect.gather [hbm4b:s4+s13], $0x80, s24, s13, $0xb8;
	[tilespmem:$0x1F540] =	vst v63  }
0x41: {  	_ =	swait.ge [sflag:s17], $0x3200  }
0x42: {  	[sflag:s17] =	ssyncset.done $0x0  }
0x43: {  	[sflag:s17] =	ssyncadd.s32 $0xFFFFCE00  }
0x44: {  	[spmem:s2] =	stream.indirect.scatter.add.f32 [tilespmem:s14], [sflag:$0x3], $0x80, s19, s13, $0xb8;
	[tilespmem:$0x1F540] =	vst v63  }
0x45: {  	_ =	swait.ge [sflag:s9], $0x3200  }
0x46: {  	[sflag:s9] =	ssyncset.done $0x0  }
0x47: {  	[sflag:s9] =	ssyncadd.s32 $0xFFFFCE00  }
0x48: {  	_ =	swait.ge [sflag:s18], $0x3200  }
0x49: {  	[sflag:s18] =	ssyncset.done $0x0  }
0x4a: {  	[sflag:s18] =	ssyncadd.s32 $0xFFFFCE00  }
0x4b: {  	[spmem:s2] =	stream.indirect.scatter.add.f32 [tilespmem:s16], [sflag:$0x3], $0x80, s20, s13, $0xb8;
	[tilespmem:$0x1F540] =	vst v63  }
0x4c: {  	_ =	swait.ge [sflag:s9], $0x3200  }
0x4d: {  	s22 =	sadd.s32 $0x1, s22;
	[sflag:s9] =	ssyncset.done $0x0  }
0x4e: {  	p0 =	sne.s32 s22, s8;
	[sflag:s9] =	ssyncadd.s32 $0xFFFFCE00  }
.Ltmp1:
0x4f: {  	[bflag:$0x0] =	sbarrier.arrive $0xFFFF;
	(pc) =	sbr.rel @p0 .LBB2_1-.Ltmp1, $4  }
0x50: {  	[hbm:s21], [sflag:s11] =	dma.local [spmem:s12], $0x2800  }
0x51: {  	_ =	swait.ge [sflag:s9], $0x2800  }
0x52: {  	[sflag:s9] =	ssyncset.done $0x0  }
0x53: {  	[sflag:s9] =	ssyncadd.s32 $0xFFFFD800  }
0x54: {  	_ =	sfence.sel $0x180000  }
0x55: {  	[bflag:$0x0] =	sbarrier.arrive $0xFFFF  }
0x56: {  	p0 =	sne.s32 s0, $0x0;
	_ =	strace $0x9000004A  }
0x57: {  	s0 =	sadd.s32 @!p0 $0x100000, s1;
	[bflag:$0x2] =	sbarrier.arrive $0xFFFF  }
0x58: {  	[sflag:s0] =	ssyncadd.tile.s32 @!p0 $0x1;
	_ =	shalt  }
.Lfunc_end2:
_tile_overlayer_lowered:
.L_overlay_start_2:
0x59: {  	(tag) =	ssettag $0x2  }
0x5a: {  	s0 =	rddreg [dreg:$0x0];
	s2 =	stileid.u32  }
0x5b: {  	s1 =	rddreg [dreg:$0x1];
	p0 =	sne.s32 s2, $0x0  }
0x5c: {  	s3 =	rddreg [dreg:$0x2];
	[bflag:$0x3] =	sbarrier.arrive $0xFFFF;
	s2 =	simm.s32 @!p0 $0x1C03  }
0x5d: {  	[timem:s3], [sflag:s2] =	dma.local @!p0 [hbm:s0], s1  }
0x5e: {  	s0 =	simm.s32 @!p0 $0x3  }
0x5f: {  	_ =	swait.ge @!p0 [sflag:s0], s1  }
0x60: {  	s1 =	ssub.s32 @!p0 $0x0, s1;
	[sflag:s0] =	ssyncset.done @!p0 $0x0  }
0x61: {  	[sflag:s0] =	ssyncadd.s32 @!p0 s1  }
0x62: {  	[bflag:$0x3] =	sbarrier.arrive $0xFFFF  }
0x63: {  	_ =	shalt  }

</sc_bundles>
